<compile_context>
chip_gen: v7x
topology: tpu7x:2x2x1
jax: 0.10.2.dev20260603
libtpu: 0.0.44.dev20260713+nightly
codegen_flags: <defaults>
</compile_context>

<pallas_src>
import jax
import jax.numpy as jnp
from jax import lax
from jax.experimental import pallas as pl
from jax.experimental.pallas import tpu as pltpu
from jax.experimental.pallas import tpu_sc as plsc

_SPACING = (0.001, 0.001)
_N_KEYS = 2048
_N_QUERIES = 3 * _N_KEYS
_D = 128
_LANES = 16
_CHUNKS = _N_KEYS // _LANES
_NUM_CORES = 2
_NUM_SUBCORES = 16
_NUM_WORKERS = _NUM_CORES * _NUM_SUBCORES
_QPW = _N_QUERIES // _NUM_WORKERS
_GROUPS = _QPW // _LANES
_HGROUPS = _GROUPS // 2
_HQ = _QPW // 2
_NB = 1024
_BCHUNKS = _NB // _LANES
_BF = float(_NB)
_INV_BF = 1.0 / _BF


def _walk(skx_v, sky_v, qxv, qyv, p0, bd, bp):

    def cond(state):
        return jnp.any(state[4] | state[5])

    def body(state):
        pr, pl_, bd, bp, ar, al = state
        vr = ar & (pr < _N_KEYS)
        vl = al & (pl_ >= 0)
        kxr = plsc.load_gather(skx_v, [pr], mask=vr)
        kyr = plsc.load_gather(sky_v, [pr], mask=vr)
        kxl = plsc.load_gather(skx_v, [pl_], mask=vl)
        kyl = plsc.load_gather(sky_v, [pl_], mask=vl)
        dxr = qxv - kxr
        dyr = qyv - kyr
        dr = dxr * dxr + dyr * dyr
        dxl = qxv - kxl
        dyl = qyv - kyl
        dl = dxl * dxl + dyl * dyl
        tr = vr & (dr < bd)
        bd = jnp.where(tr, dr, bd)
        bp = jnp.where(tr, pr, bp)
        tl = vl & (dl < bd)
        bd = jnp.where(tl, dl, bd)
        bp = jnp.where(tl, pl_, bp)
        bkr = (kxr * _BF).astype(jnp.int32)
        bkl = (kxl * _BF).astype(jnp.int32)
        gr = bkr.astype(jnp.float32) * _INV_BF - qxv
        gl = qxv - (bkl + 1).astype(jnp.float32) * _INV_BF
        nar = vr & ((gr <= 0.0) | (gr * gr <= bd))
        nal = vl & ((gl <= 0.0) | (gl * gl <= bd))
        return pr + 1, pl_ - 1, bd, bp, nar, nal

    on = jnp.full((_LANES,), True)
    _, _, bd, bp, _, _ = lax.while_loop(
        cond, body, (p0 + 1, p0 - 1, bd, bp, on, on)
    )
    return bd, bp


def _sc_body(x_hbm, y_hbm, values_hbm, out_hbm,
             x_v, y_v, skx_v, sky_v, sidx_v, inv_v, counts_v, bi_v, rows_v,
             sem):
    wid = lax.axis_index("s") * _NUM_CORES + lax.axis_index("c")
    base = wid * _QPW

    pltpu.sync_copy(x_hbm, x_v)
    pltpu.sync_copy(y_hbm, y_v)

    lane = lax.iota(jnp.int32, _LANES)
    zero = jnp.zeros((_LANES,), jnp.int32)

    @plsc.parallel_loop(0, _NB, _LANES)
    def zero_body(i):
        counts_v[pl.ds(i, _LANES)] = zero

    @plsc.parallel_loop(0, _N_KEYS, _LANES, unroll=4)
    def hist_body(i):
        xv = x_v[pl.ds(i, _LANES)]
        b = (xv * _BF).astype(jnp.int32)
        cnt, last = plsc.scan_count(b)
        plsc.addupdate_scatter(counts_v, [b], cnt, mask=last)

    @plsc.parallel_loop(0, _NB, _LANES, carry=jnp.int32(0))
    def scan_body(i, tot):
        s = counts_v[pl.ds(i, _LANES)]
        cs = plsc.cumsum(s)
        counts_v[pl.ds(i, _LANES)] = (tot + cs) - s
        return tot + cs[15]

    def place_pair(c, _):
        for h in range(2):
            off = (c * 2 + h) * _LANES
            xv = x_v[pl.ds(off, _LANES)]
            yv = y_v[pl.ds(off, _LANES)]
            b = (xv * _BF).astype(jnp.int32)
            cnt, last = plsc.scan_count(b)
            pos = plsc.load_gather(counts_v, [b]) + cnt - 1
            plsc.store_scatter(skx_v, [pos], xv)
            plsc.store_scatter(sky_v, [pos], yv)
            plsc.store_scatter(sidx_v, [pos], off + lane)
            inv_v[pl.ds(off, _LANES)] = pos
            plsc.addupdate_scatter(counts_v, [b], cnt, mask=last)
        return 0

    lax.fori_loop(0, _CHUNKS // 2, place_pair, 0)

    sx, sy = _SPACING
    half_x = jnp.float32(sx / 2.0)
    half_y = jnp.float32(sy / 2.0)

    def group_body(g, _):
        qidx = base + g * _LANES + lane
        src = qidx & (_N_KEYS - 1)
        copy_id = qidx >> 11
        xs = plsc.load_gather(x_v, [src])
        ys = plsc.load_gather(y_v, [src])
        qxv = jnp.where(copy_id == 0, xs - half_x, (xs + sx) - half_x)
        qyv = jnp.where(copy_id == 1, ys - half_y, (ys + sy) - half_y)
        p0 = plsc.load_gather(inv_v, [src])
        dx0 = qxv - xs
        dy0 = qyv - ys
        bd = dx0 * dx0 + dy0 * dy0
        bp = p0
        bd, bp = _walk(skx_v, sky_v, qxv, qyv, p0, bd, bp)
        bi = plsc.load_gather(sidx_v, [bp])
        bi_v[g // _HGROUPS, pl.ds((g % _HGROUPS) * _LANES, _LANES)] = bi
        return 0

    lax.fori_loop(0, _GROUPS, group_body, 0, unroll=2)
    c0 = pltpu.async_copy(
        values_hbm.at[bi_v.at[0]], rows_v.at[pl.ds(0, _HQ)], sem
    )
    c1 = pltpu.async_copy(
        values_hbm.at[bi_v.at[1]], rows_v.at[pl.ds(_HQ, _HQ)], sem
    )
    c0.wait()
    c1.wait()
    pltpu.sync_copy(rows_v, out_hbm.at[pl.ds(base, _QPW)])


def _nn_gather(x, y, values_t):
    mesh = plsc.VectorSubcoreMesh(core_axis_name="c", subcore_axis_name="s")
    return pl.kernel(
        _sc_body,
        out_type=jax.ShapeDtypeStruct((_N_QUERIES, _D), jnp.float32),
        mesh=mesh,
        compiler_params=pltpu.CompilerParams(needs_layout_passes=False),
        scratch_types=[
            pltpu.VMEM((_N_KEYS,), jnp.float32),
            pltpu.VMEM((_N_KEYS,), jnp.float32),
            pltpu.VMEM((_N_KEYS,), jnp.float32),
            pltpu.VMEM((_N_KEYS,), jnp.float32),
            pltpu.VMEM((_N_KEYS,), jnp.int32),
            pltpu.VMEM((_N_KEYS,), jnp.int32),
            pltpu.VMEM((_NB,), jnp.int32),
            pltpu.VMEM((2, _HQ), jnp.int32),
            pltpu.VMEM((_QPW, _D), jnp.float32),
            pltpu.SemaphoreType.DMA,
        ],
    )(x, y, values_t)


def kernel(values, coords):
    sx, sy = _SPACING
    x = coords[:, 0]
    y = coords[:, 1]
    new_coords = jnp.concatenate(
        (
            jnp.stack((x, y + sy), axis=1),
            jnp.stack((x + sx, y), axis=1),
            jnp.stack((x + sx, y + sy), axis=1),
        ),
        axis=0,
    )
    sampled_coords = jnp.concatenate((coords, new_coords), axis=0)
    out_t = _nn_gather(x, y, values.T)
    out_values = jnp.concatenate((values, out_t.T), axis=1)
    return out_values, sampled_coords

# --- scband reference (transcript-rebuilt; emitter-appended) ---
"""Pipeline reference for scband-upsample-89275190215183 (READ-ONLY COPY).

The authoritative reference and input builder live on the scoring server;
editing this copy changes nothing except your own understanding.
"""

import jax, jax.numpy as jnp
import numpy as np

SCALE = 4
SPACING = (0.001, 0.001)


def setup_inputs(seed: int = 0) -> dict:
    key = jax.random.key(seed)
    k1, k2 = jax.random.split(key)
    values = jax.random.normal(k1, (128, 2048), dtype=jnp.float32)
    coords = jax.random.uniform(k2, (2048, 2), dtype=jnp.float32)
    return {"values": values, "coords": coords}


def reference(values, coords):
    # Faithful translation of upsample_nn with mode='nearest', grid_mode=True, scale=4.
    spacing = SPACING
    shift = jnp.asarray([spacing[0] / 2.0, spacing[1] / 2.0], dtype=values.dtype)
    # grid-mode: generate 3 shifted copies of the existing coords
    new_coords = jnp.concatenate(
        (
            jnp.stack((coords[:, 0], coords[:, 1] + spacing[1]), axis=1),
            jnp.stack((coords[:, 0] + spacing[0], coords[:, 1]), axis=1),
            jnp.stack((coords[:, 0] + spacing[0], coords[:, 1] + spacing[1]), axis=1),
        ),
        axis=0,
    )
    sampled_coords = jnp.concatenate((coords, new_coords), axis=0)
    # nearest-neighbor retrieval: pairwise L2 distances [3N, N]
    diffs = jnp.linalg.norm(
        (new_coords - shift)[:, None, :] - coords[None, :, :], axis=-1
    )
    nn_idx = jnp.argmin(diffs, axis=1)  # min(dim=1).indices
    new_values = jnp.take(values, nn_idx, axis=1)  # values[:, idx]
    out_values = jnp.concatenate((values, new_values), axis=1)
    return out_values, sampled_coords

if __name__ == "__main__":
    import jax
    _d = setup_inputs()
    print(jax.jit(kernel)(*tuple(_d.values())))

</pallas_src>

<mosaic_0001>
#map = affine_map<(d0, d1) -> (0)>
#map1 = affine_map<(d0, d1) -> (0, 0)>
module attributes {stable_mosaic.version = 14 : i64} {
  func.func @_sc_body(%arg0: i32, %arg1: i32, %arg2: memref<2048xf32, #tpu.memory_space<hbm>>, %arg3: memref<2048xf32, #tpu.memory_space<hbm>>, %arg4: memref<2048x128xf32, #tpu.memory_space<hbm>>, %arg5: memref<6144x128xf32, #tpu.memory_space<hbm>>, %arg6: memref<2048xf32, #tpu.memory_space<vmem>>, %arg7: memref<2048xf32, #tpu.memory_space<vmem>>, %arg8: memref<2048xf32, #tpu.memory_space<vmem>>, %arg9: memref<2048xf32, #tpu.memory_space<vmem>>, %arg10: memref<2048xi32, #tpu.memory_space<vmem>>, %arg11: memref<2048xi32, #tpu.memory_space<vmem>>, %arg12: memref<1024xi32, #tpu.memory_space<vmem>>, %arg13: memref<2x96xi32, #tpu.memory_space<vmem>>, %arg14: memref<192x128xf32, #tpu.memory_space<vmem>>, %arg15: memref<!tpu.dma_semaphore, #tpu.memory_space<semaphore_mem>>) attributes {dimension_semantics = [#tpu.dimension_semantics<core_parallel>, #tpu.dimension_semantics<subcore_parallel>], iteration_bounds = array<i64: 2, 16>, scalar_prefetch = 0 : i64, scratch_operands = 10 : i64, tpu.core_type = #tpu.core_type<sc_vector_subcore>, window_params = [{transform_indices = #map}, {transform_indices = #map}, {transform_indices = #map1}, {transform_indices = #map1}]} {
    %mul3A = arith.constant 2 : i32
    %mul3A_0 = arith.muli %arg1, %mul3A : i32
    %add3A = arith.addi %mul3A_0, %arg0 : i32
    %mul3A_1 = arith.constant 192 : i32
    %mul3A_2 = arith.muli %add3A, %mul3A_1 : i32
    "tpu.region"() ({
      %run_scoped3A = tpu.sem_alloc : memref<!tpu.dma_semaphore, #tpu.memory_space<semaphore_mem>>
      tpu.enqueue_dma source(%arg2 : memref<2048xf32, #tpu.memory_space<hbm>>) target(%arg6 : memref<2048xf32, #tpu.memory_space<vmem>>) target_semaphore(%run_scoped3A : memref<!tpu.dma_semaphore, #tpu.memory_space<semaphore_mem>>)
      tpu.wait_dma2 semaphore(%run_scoped3A : memref<!tpu.dma_semaphore, #tpu.memory_space<semaphore_mem>>) src(%arg2 : memref<2048xf32, #tpu.memory_space<hbm>>) dst(%arg6 : memref<2048xf32, #tpu.memory_space<vmem>>)
      tpu.yield
    }) : () -> ()
    "tpu.region"() ({
      %run_scoped3A = tpu.sem_alloc : memref<!tpu.dma_semaphore, #tpu.memory_space<semaphore_mem>>
      tpu.enqueue_dma source(%arg3 : memref<2048xf32, #tpu.memory_space<hbm>>) target(%arg7 : memref<2048xf32, #tpu.memory_space<vmem>>) target_semaphore(%run_scoped3A : memref<!tpu.dma_semaphore, #tpu.memory_space<semaphore_mem>>)
      tpu.wait_dma2 semaphore(%run_scoped3A : memref<!tpu.dma_semaphore, #tpu.memory_space<semaphore_mem>>) src(%arg3 : memref<2048xf32, #tpu.memory_space<hbm>>) dst(%arg7 : memref<2048xf32, #tpu.memory_space<vmem>>)
      tpu.yield
    }) : () -> ()
    %iota3A = tpu.iota {dimensions = array<i32: 0>} : vector<16xi32>
    %broadcast_in_dim3A = arith.constant 0 : i32
    %broadcast_in_dim3A_3 = vector.broadcast %broadcast_in_dim3A : i32 to vector<16xi32>
    %parallel_loop3A = arith.constant 0 : i32
    %parallel_loop3A_4 = arith.constant 1024 : i32
    %parallel_loop3A_5 = arith.constant 16 : i32
    scf.for %parallel_loop3A_67 = %parallel_loop3A to %parallel_loop3A_4 step %parallel_loop3A_5  : i32 {
      %parallel_loop3A_68 = arith.index_cast %parallel_loop3A_67 : i32 to index
      %parallel_loop3A_69 = tpu.vector_load %arg12[%parallel_loop3A_68] {strides = array<i32>} : memref<1024xi32, #tpu.memory_space<vmem>>, vector<16xi32>,
      tpu.vector_store %arg12[%parallel_loop3A_68], %broadcast_in_dim3A_3 {strides = array<i32>} : memref<1024xi32, #tpu.memory_space<vmem>>, vector<16xi32>,
    } {sc.loop_unroll_factor = 1 : i64, sc.parallel_access}
    %parallel_loop3A_6 = arith.constant 0 : i32
    %parallel_loop3A_7 = arith.constant 2048 : i32
    %parallel_loop3A_8 = arith.constant 16 : i32
    scf.for %parallel_loop3A_67 = %parallel_loop3A_6 to %parallel_loop3A_7 step %parallel_loop3A_8  : i32 {
      %parallel_loop3A_68 = arith.index_cast %parallel_loop3A_67 : i32 to index
      %parallel_loop3A_69 = tpu.vector_load %arg6[%parallel_loop3A_68] {strides = array<i32>} : memref<2048xf32, #tpu.memory_space<vmem>>, vector<16xf32>,
      %parallel_loop3A_70 = arith.constant 1.024000e+03 : f32
      %parallel_loop3A_71 = vector.broadcast %parallel_loop3A_70 : f32 to vector<16xf32>
      %parallel_loop3A_72 = arith.mulf %parallel_loop3A_69, %parallel_loop3A_71 : vector<16xf32>
      %parallel_loop3A_73 = arith.fptosi %parallel_loop3A_72 : vector<16xf32> to vector<16xi32>
      %parallel_loop3A_74 = arith.constant true
      %parallel_loop3A_75 = vector.broadcast %parallel_loop3A_74 : i1 to vector<16xi1>
      %parallel_loop3A_76, %parallel_loop3A_77 = tpu.scan_count mask(%parallel_loop3A_75 : vector<16xi1>) value(%parallel_loop3A_73 : vector<16xi32>) : vector<16xi1>, vector<16xi32>
      tpu.vector_store_idx %arg12[%parallel_loop3A_73], %parallel_loop3A_77 masked %parallel_loop3A_76 {add = true} : memref<1024xi32, #tpu.memory_space<vmem>>[vector<16xi32>], vector<16xi32>, vector<16xi1>
    } {sc.loop_unroll_factor = 4 : i64, sc.parallel_access}
    %parallel_loop3A_9 = arith.constant 0 : i32
    %parallel_loop3A_10 = arith.constant 1024 : i32
    %parallel_loop3A_11 = arith.constant 16 : i32
    %parallel_loop3A_12 = arith.constant 0 : i32
    %parallel_loop3A_13 = scf.for %parallel_loop3A_67 = %parallel_loop3A_9 to %parallel_loop3A_10 step %parallel_loop3A_11 iter_args(%parallel_loop3A_68 = %parallel_loop3A_12) -> (i32)  : i32 {
      %parallel_loop3A_69 = arith.index_cast %parallel_loop3A_67 : i32 to index
      %parallel_loop3A_70 = tpu.vector_load %arg12[%parallel_loop3A_69] {strides = array<i32>} : memref<1024xi32, #tpu.memory_space<vmem>>, vector<16xi32>,
      %parallel_loop3A_71 = arith.constant true
      %parallel_loop3A_72 = vector.broadcast %parallel_loop3A_71 : i1 to vector<16xi1>
      %parallel_loop3A_73 = tpu.scan <sum>, %parallel_loop3A_70 masked %parallel_loop3A_72 : vector<16xi32>, vector<16xi1> -> vector<16xi32>
      %parallel_loop3A_74 = vector.broadcast %parallel_loop3A_68 : i32 to vector<16xi32>
      %parallel_loop3A_75 = arith.addi %parallel_loop3A_74, %parallel_loop3A_73 : vector<16xi32>
      %parallel_loop3A_76 = arith.subi %parallel_loop3A_75, %parallel_loop3A_70 : vector<16xi32>
      %parallel_loop3A_77 = arith.index_cast %parallel_loop3A_67 : i32 to index
      %parallel_loop3A_78 = tpu.vector_load %arg12[%parallel_loop3A_77] {strides = array<i32>} : memref<1024xi32, #tpu.memory_space<vmem>>, vector<16xi32>,
      tpu.vector_store %arg12[%parallel_loop3A_77], %parallel_loop3A_76 {strides = array<i32>} : memref<1024xi32, #tpu.memory_space<vmem>>, vector<16xi32>,
      %parallel_loop3A_79 = vector.extract_strided_slice %parallel_loop3A_73 {offsets = [15], sizes = [1], strides = [1]} : vector<16xi32> to vector<1xi32>
      %parallel_loop3A_80 = vector.extract %parallel_loop3A_79[0] : i32 from vector<1xi32>
      %parallel_loop3A_81 = arith.addi %parallel_loop3A_68, %parallel_loop3A_80 : i32
      scf.yield %parallel_loop3A_81 : i32
    } {sc.loop_unroll_factor = 1 : i64, sc.parallel_access}
    %scan3A = arith.constant 0 : i32
    %scan3A_14 = arith.constant 0 : i32
    %scan3A_15 = arith.constant 64 : i32
    %scan3A_16 = arith.addi %scan3A_14, %scan3A_15 : i32
    %scan3A_17 = arith.constant 1 : i32
    %scan3A_18 = scf.for %scan3A_67 = %scan3A_14 to %scan3A_16 step %scan3A_17 iter_args(%scan3A_68 = %scan3A) -> (i32)  : i32 {
      %mul3A_69 = arith.constant 2 : i32
      %mul3A_70 = arith.muli %scan3A_67, %mul3A_69 : i32
      %add3A_71 = arith.constant 0 : i32
      %add3A_72 = arith.addi %mul3A_70, %add3A_71 : i32
      %mul3A_73 = arith.constant 16 : i32
      %mul3A_74 = arith.muli %add3A_72, %mul3A_73 : i32
      %get3A = arith.index_cast %mul3A_74 : i32 to index
      %get3A_75 = tpu.vector_load %arg6[%get3A] {strides = array<i32>} : memref<2048xf32, #tpu.memory_space<vmem>>, vector<16xf32>,
      %get3A_76 = arith.index_cast %mul3A_74 : i32 to index
      %get3A_77 = tpu.vector_load %arg7[%get3A_76] {strides = array<i32>} : memref<2048xf32, #tpu.memory_space<vmem>>, vector<16xf32>,
      %mul3A_78 = arith.constant 1.024000e+03 : f32
      %mul3A_79 = vector.broadcast %mul3A_78 : f32 to vector<16xf32>
      %mul3A_80 = arith.mulf %get3A_75, %mul3A_79 : vector<16xf32>
      %convert_element_type3A = arith.fptosi %mul3A_80 : vector<16xf32> to vector<16xi32>
      %broadcast_in_dim3A_81 = arith.constant true
      %broadcast_in_dim3A_82 = vector.broadcast %broadcast_in_dim3A_81 : i1 to vector<16xi1>
      %unique3A, %unique3A_83 = tpu.scan_count mask(%broadcast_in_dim3A_82 : vector<16xi1>) value(%convert_element_type3A : vector<16xi32>) : vector<16xi1>, vector<16xi32>
      %gather3A = tpu.vector_load_idx %arg12[%convert_element_type3A] : memref<1024xi32, #tpu.memory_space<vmem>>[vector<16xi32>], vector<16xi32>,
      %add3A_84 = arith.addi %gather3A, %unique3A_83 : vector<16xi32>
      %sub3A = arith.constant 1 : i32
      %sub3A_85 = vector.broadcast %sub3A : i32 to vector<16xi32>
      %sub3A_86 = arith.subi %add3A_84, %sub3A_85 : vector<16xi32>
      tpu.vector_store_idx %arg8[%sub3A_86], %get3A_75 : memref<2048xf32, #tpu.memory_space<vmem>>[vector<16xi32>], vector<16xf32>,
      tpu.vector_store_idx %arg9[%sub3A_86], %get3A_77 : memref<2048xf32, #tpu.memory_space<vmem>>[vector<16xi32>], vector<16xf32>,
      %add3A_87 = vector.broadcast %mul3A_74 : i32 to vector<16xi32>
      %add3A_88 = arith.addi %add3A_87, %iota3A : vector<16xi32>
      tpu.vector_store_idx %arg10[%sub3A_86], %add3A_88 : memref<2048xi32, #tpu.memory_space<vmem>>[vector<16xi32>], vector<16xi32>,
      %swap3A = arith.index_cast %mul3A_74 : i32 to index
      %swap3A_89 = tpu.vector_load %arg11[%swap3A] {strides = array<i32>} : memref<2048xi32, #tpu.memory_space<vmem>>, vector<16xi32>,
      tpu.vector_store %arg11[%swap3A], %sub3A_86 {strides = array<i32>} : memref<2048xi32, #tpu.memory_space<vmem>>, vector<16xi32>,
      tpu.vector_store_idx %arg12[%convert_element_type3A], %unique3A_83 masked %unique3A {add = true} : memref<1024xi32, #tpu.memory_space<vmem>>[vector<16xi32>], vector<16xi32>, vector<16xi1>
      %mul3A_90 = arith.constant 2 : i32
      %mul3A_91 = arith.muli %scan3A_67, %mul3A_90 : i32
      %add3A_92 = arith.constant 1 : i32
      %add3A_93 = arith.addi %mul3A_91, %add3A_92 : i32
      %mul3A_94 = arith.constant 16 : i32
      %mul3A_95 = arith.muli %add3A_93, %mul3A_94 : i32
      %get3A_96 = arith.index_cast %mul3A_95 : i32 to index
      %get3A_97 = tpu.vector_load %arg6[%get3A_96] {strides = array<i32>} : memref<2048xf32, #tpu.memory_space<vmem>>, vector<16xf32>,
      %get3A_98 = arith.index_cast %mul3A_95 : i32 to index
      %get3A_99 = tpu.vector_load %arg7[%get3A_98] {strides = array<i32>} : memref<2048xf32, #tpu.memory_space<vmem>>, vector<16xf32>,
      %mul3A_100 = arith.constant 1.024000e+03 : f32
      %mul3A_101 = vector.broadcast %mul3A_100 : f32 to vector<16xf32>
      %mul3A_102 = arith.mulf %get3A_97, %mul3A_101 : vector<16xf32>
      %convert_element_type3A_103 = arith.fptosi %mul3A_102 : vector<16xf32> to vector<16xi32>
      %broadcast_in_dim3A_104 = arith.constant true
      %broadcast_in_dim3A_105 = vector.broadcast %broadcast_in_dim3A_104 : i1 to vector<16xi1>
      %unique3A_106, %unique3A_107 = tpu.scan_count mask(%broadcast_in_dim3A_105 : vector<16xi1>) value(%convert_element_type3A_103 : vector<16xi32>) : vector<16xi1>, vector<16xi32>
      %gather3A_108 = tpu.vector_load_idx %arg12[%convert_element_type3A_103] : memref<1024xi32, #tpu.memory_space<vmem>>[vector<16xi32>], vector<16xi32>,
      %add3A_109 = arith.addi %gather3A_108, %unique3A_107 : vector<16xi32>
      %sub3A_110 = arith.constant 1 : i32
      %sub3A_111 = vector.broadcast %sub3A_110 : i32 to vector<16xi32>
      %sub3A_112 = arith.subi %add3A_109, %sub3A_111 : vector<16xi32>
      tpu.vector_store_idx %arg8[%sub3A_112], %get3A_97 : memref<2048xf32, #tpu.memory_space<vmem>>[vector<16xi32>], vector<16xf32>,
      tpu.vector_store_idx %arg9[%sub3A_112], %get3A_99 : memref<2048xf32, #tpu.memory_space<vmem>>[vector<16xi32>], vector<16xf32>,
      %add3A_113 = vector.broadcast %mul3A_95 : i32 to vector<16xi32>
      %add3A_114 = arith.addi %add3A_113, %iota3A : vector<16xi32>
      tpu.vector_store_idx %arg10[%sub3A_112], %add3A_114 : memref<2048xi32, #tpu.memory_space<vmem>>[vector<16xi32>], vector<16xi32>,
      %swap3A_115 = arith.index_cast %mul3A_95 : i32 to index
      %swap3A_116 = tpu.vector_load %arg11[%swap3A_115] {strides = array<i32>} : memref<2048xi32, #tpu.memory_space<vmem>>, vector<16xi32>,
      tpu.vector_store %arg11[%swap3A_115], %sub3A_112 {strides = array<i32>} : memref<2048xi32, #tpu.memory_space<vmem>>, vector<16xi32>,
      tpu.vector_store_idx %arg12[%convert_element_type3A_103], %unique3A_107 masked %unique3A_106 {add = true} : memref<1024xi32, #tpu.memory_space<vmem>>[vector<16xi32>], vector<16xi32>, vector<16xi1>
      %scan3A_117 = arith.constant 0 : i32
      scf.yield %scan3A_117 : i32
    }
    %scan3A_19 = arith.constant 64 : i32
    %scan3A_20 = arith.constant 5.000000e-04 : f32
    %scan3A_21 = arith.constant 5.000000e-04 : f32
    %scan3A_22 = arith.constant 0 : i32
    %scan3A_23 = arith.constant 0 : i32
    %scan3A_24 = arith.constant 12 : i32
    %scan3A_25 = arith.addi %scan3A_23, %scan3A_24 : i32
    %scan3A_26 = arith.constant 2 : i32
    %scan3A_27 = scf.for %scan3A_67 = %scan3A_23 to %scan3A_25 step %scan3A_26 iter_args(%scan3A_68 = %scan3A_22) -> (i32)  : i32 {
      %mul3A_69 = arith.constant 16 : i32
      %mul3A_70 = arith.muli %scan3A_67, %mul3A_69 : i32
      %add3A_71 = arith.addi %mul3A_2, %mul3A_70 : i32
      %add3A_72 = vector.broadcast %add3A_71 : i32 to vector<16xi32>
      %add3A_73 = arith.addi %add3A_72, %iota3A : vector<16xi32>
      %and3A = arith.constant 2047 : i32
      %and3A_74 = vector.broadcast %and3A : i32 to vector<16xi32>
      %and3A_75 = arith.andi %add3A_73, %and3A_74 : vector<16xi32>
      %shift_right_arithmetic3A = arith.constant 11 : i32
      %shift_right_arithmetic3A_76 = vector.broadcast %shift_right_arithmetic3A : i32 to vector<16xi32>
      %shift_right_arithmetic3A_77 = arith.shrsi %add3A_73, %shift_right_arithmetic3A_76 : vector<16xi32>
      %gather3A = tpu.vector_load_idx %arg6[%and3A_75] : memref<2048xf32, #tpu.memory_space<vmem>>[vector<16xi32>], vector<16xf32>,
      %gather3A_78 = tpu.vector_load_idx %arg7[%and3A_75] : memref<2048xf32, #tpu.memory_space<vmem>>[vector<16xi32>], vector<16xf32>,
      %eq3A = arith.constant 0 : i32
      %eq3A_79 = vector.broadcast %eq3A : i32 to vector<16xi32>
      %eq3A_80 = arith.cmpi eq, %shift_right_arithmetic3A_77, %eq3A_79 : vector<16xi32>
      %sub3A = vector.broadcast %scan3A_20 : f32 to vector<16xf32>
      %sub3A_81 = arith.subf %gather3A, %sub3A : vector<16xf32>
      %add3A_82 = arith.constant 1.000000e-03 : f32
      %add3A_83 = vector.broadcast %add3A_82 : f32 to vector<16xf32>
      %add3A_84 = arith.addf %gather3A, %add3A_83 : vector<16xf32>
      %sub3A_85 = vector.broadcast %scan3A_20 : f32 to vector<16xf32>
      %sub3A_86 = arith.subf %add3A_84, %sub3A_85 : vector<16xf32>
      %select_n3A = arith.select %eq3A_80, %sub3A_81, %sub3A_86 : vector<16xi1>, vector<16xf32>
      %eq3A_87 = arith.constant 1 : i32
      %eq3A_88 = vector.broadcast %eq3A_87 : i32 to vector<16xi32>
      %eq3A_89 = arith.cmpi eq, %shift_right_arithmetic3A_77, %eq3A_88 : vector<16xi32>
      %sub3A_90 = vector.broadcast %scan3A_21 : f32 to vector<16xf32>
      %sub3A_91 = arith.subf %gather3A_78, %sub3A_90 : vector<16xf32>
      %add3A_92 = arith.constant 1.000000e-03 : f32
      %add3A_93 = vector.broadcast %add3A_92 : f32 to vector<16xf32>
      %add3A_94 = arith.addf %gather3A_78, %add3A_93 : vector<16xf32>
      %sub3A_95 = vector.broadcast %scan3A_21 : f32 to vector<16xf32>
      %sub3A_96 = arith.subf %add3A_94, %sub3A_95 : vector<16xf32>
      %select_n3A_97 = arith.select %eq3A_89, %sub3A_91, %sub3A_96 : vector<16xi1>, vector<16xf32>
      %gather3A_98 = tpu.vector_load_idx %arg11[%and3A_75] : memref<2048xi32, #tpu.memory_space<vmem>>[vector<16xi32>], vector<16xi32>,
      %sub3A_99 = arith.subf %select_n3A, %gather3A : vector<16xf32>
      %sub3A_100 = arith.subf %select_n3A_97, %gather3A_78 : vector<16xf32>
      %mul3A_101 = arith.mulf %sub3A_99, %sub3A_99 : vector<16xf32>
      %mul3A_102 = arith.mulf %sub3A_100, %sub3A_100 : vector<16xf32>
      %add3A_103 = arith.addf %mul3A_101, %mul3A_102 : vector<16xf32>
      %broadcast_in_dim3A_104 = arith.constant true
      %broadcast_in_dim3A_105 = vector.broadcast %broadcast_in_dim3A_104 : i1 to vector<16xi1>
      %add3A_106 = arith.constant 1 : i32
      %add3A_107 = vector.broadcast %add3A_106 : i32 to vector<16xi32>
      %add3A_108 = arith.addi %gather3A_98, %add3A_107 : vector<16xi32>
      %sub3A_109 = arith.constant 1 : i32
      %sub3A_110 = vector.broadcast %sub3A_109 : i32 to vector<16xi32>
      %sub3A_111 = arith.subi %gather3A_98, %sub3A_110 : vector<16xi32>
      %while3A:6 = scf.while (%while3A_251 = %add3A_108, %while3A_252 = %sub3A_111, %while3A_253 = %add3A_103, %while3A_254 = %gather3A_98, %while3A_255 = %broadcast_in_dim3A_105, %while3A_256 = %broadcast_in_dim3A_105) : (vector<16xi32>, vector<16xi32>, vector<16xf32>, vector<16xi32>, vector<16xi1>, vector<16xi1>) -> (vector<16xi32>, vector<16xi32>, vector<16xf32>, vector<16xi32>, vector<16xi1>, vector<16xi1>) {
        %or3A = arith.ori %while3A_255, %while3A_256 : vector<16xi1>
        %reduce_or3A = arith.constant 1.000000e+00 : f32
        %reduce_or3A_257 = arith.constant 0.000000e+00 : f32
        %reduce_or3A_258 = vector.broadcast %reduce_or3A : f32 to vector<16xf32>
        %reduce_or3A_259 = vector.broadcast %reduce_or3A_257 : f32 to vector<16xf32>
        %reduce_or3A_260 = arith.select %or3A, %reduce_or3A_258, %reduce_or3A_259 : vector<16xi1>, vector<16xf32>
        %reduce_or3A_261 = arith.constant true
        %reduce_or3A_262 = vector.broadcast %reduce_or3A_261 : i1 to vector<16xi1>
        %reduce_or3A_263 = tpu.scan <max>, %reduce_or3A_260 masked %reduce_or3A_262 : vector<16xf32>, vector<16xi1> -> vector<16xf32>
        %reduce_or3A_264 = vector.extract %reduce_or3A_263[15] : f32 from vector<16xf32>
        %reduce_or3A_265 = arith.constant 0.000000e+00 : f32
        %reduce_or3A_266 = arith.cmpf ogt, %reduce_or3A_264, %reduce_or3A_265 : f32
        scf.condition(%reduce_or3A_266) %while3A_251, %while3A_252, %while3A_253, %while3A_254, %while3A_255, %while3A_256 : vector<16xi32>, vector<16xi32>, vector<16xf32>, vector<16xi32>, vector<16xi1>, vector<16xi1>
      } do {
      ^bb0(%while3A_251: vector<16xi32>, %while3A_252: vector<16xi32>, %while3A_253: vector<16xf32>, %while3A_254: vector<16xi32>, %while3A_255: vector<16xi1>, %while3A_256: vector<16xi1>):
        %lt3A_257 = arith.constant 2048 : i32
        %lt3A_258 = vector.broadcast %lt3A_257 : i32 to vector<16xi32>
        %lt3A_259 = arith.cmpi slt, %while3A_251, %lt3A_258 : vector<16xi32>
        %and3A_260 = arith.andi %while3A_255, %lt3A_259 : vector<16xi1>
        %ge3A = arith.constant 0 : i32
        %ge3A_261 = vector.broadcast %ge3A : i32 to vector<16xi32>
        %ge3A_262 = arith.cmpi sge, %while3A_252, %ge3A_261 : vector<16xi32>
        %and3A_263 = arith.andi %while3A_256, %ge3A_262 : vector<16xi1>
        %gather3A_264 = tpu.vector_load_idx %arg8[%while3A_251] masked %and3A_260 : memref<2048xf32, #tpu.memory_space<vmem>>[vector<16xi32>], vector<16xf32>, vector<16xi1>
        %gather3A_265 = tpu.vector_load_idx %arg9[%while3A_251] masked %and3A_260 : memref<2048xf32, #tpu.memory_space<vmem>>[vector<16xi32>], vector<16xf32>, vector<16xi1>
        %gather3A_266 = tpu.vector_load_idx %arg8[%while3A_252] masked %and3A_263 : memref<2048xf32, #tpu.memory_space<vmem>>[vector<16xi32>], vector<16xf32>, vector<16xi1>
        %gather3A_267 = tpu.vector_load_idx %arg9[%while3A_252] masked %and3A_263 : memref<2048xf32, #tpu.memory_space<vmem>>[vector<16xi32>], vector<16xf32>, vector<16xi1>
        %sub3A_268 = arith.subf %select_n3A, %gather3A_264 : vector<16xf32>
        %sub3A_269 = arith.subf %select_n3A_97, %gather3A_265 : vector<16xf32>
        %mul3A_270 = arith.mulf %sub3A_268, %sub3A_268 : vector<16xf32>
        %mul3A_271 = arith.mulf %sub3A_269, %sub3A_269 : vector<16xf32>
        %add3A_272 = arith.addf %mul3A_270, %mul3A_271 : vector<16xf32>
        %sub3A_273 = arith.subf %select_n3A, %gather3A_266 : vector<16xf32>
        %sub3A_274 = arith.subf %select_n3A_97, %gather3A_267 : vector<16xf32>
        %mul3A_275 = arith.mulf %sub3A_273, %sub3A_273 : vector<16xf32>
        %mul3A_276 = arith.mulf %sub3A_274, %sub3A_274 : vector<16xf32>
        %add3A_277 = arith.addf %mul3A_275, %mul3A_276 : vector<16xf32>
        %lt3A_278 = arith.cmpf olt, %add3A_272, %while3A_253 : vector<16xf32>
        %and3A_279 = arith.andi %and3A_260, %lt3A_278 : vector<16xi1>
        %select_n3A_280 = arith.select %and3A_279, %add3A_272, %while3A_253 : vector<16xi1>, vector<16xf32>
        %select_n3A_281 = arith.select %and3A_279, %while3A_251, %while3A_254 : vector<16xi1>, vector<16xi32>
        %lt3A_282 = arith.cmpf olt, %add3A_277, %select_n3A_280 : vector<16xf32>
        %and3A_283 = arith.andi %and3A_263, %lt3A_282 : vector<16xi1>
        %select_n3A_284 = arith.select %and3A_283, %add3A_277, %select_n3A_280 : vector<16xi1>, vector<16xf32>
        %select_n3A_285 = arith.select %and3A_283, %while3A_252, %select_n3A_281 : vector<16xi1>, vector<16xi32>
        %mul3A_286 = arith.constant 1.024000e+03 : f32
        %mul3A_287 = vector.broadcast %mul3A_286 : f32 to vector<16xf32>
        %mul3A_288 = arith.mulf %gather3A_264, %mul3A_287 : vector<16xf32>
        %convert_element_type3A = arith.fptosi %mul3A_288 : vector<16xf32> to vector<16xi32>
        %mul3A_289 = arith.constant 1.024000e+03 : f32
        %mul3A_290 = vector.broadcast %mul3A_289 : f32 to vector<16xf32>
        %mul3A_291 = arith.mulf %gather3A_266, %mul3A_290 : vector<16xf32>
        %convert_element_type3A_292 = arith.fptosi %mul3A_291 : vector<16xf32> to vector<16xi32>
        %convert_element_type3A_293 = arith.sitofp %convert_element_type3A : vector<16xi32> to vector<16xf32>
        %mul3A_294 = arith.constant 9.765625E-4 : f32
        %mul3A_295 = vector.broadcast %mul3A_294 : f32 to vector<16xf32>
        %mul3A_296 = arith.mulf %convert_element_type3A_293, %mul3A_295 : vector<16xf32>
        %sub3A_297 = arith.subf %mul3A_296, %select_n3A : vector<16xf32>
        %add3A_298 = arith.constant 1 : i32
        %add3A_299 = vector.broadcast %add3A_298 : i32 to vector<16xi32>
        %add3A_300 = arith.addi %convert_element_type3A_292, %add3A_299 : vector<16xi32>
        %convert_element_type3A_301 = arith.sitofp %add3A_300 : vector<16xi32> to vector<16xf32>
        %mul3A_302 = arith.constant 9.765625E-4 : f32
        %mul3A_303 = vector.broadcast %mul3A_302 : f32 to vector<16xf32>
        %mul3A_304 = arith.mulf %convert_element_type3A_301, %mul3A_303 : vector<16xf32>
        %sub3A_305 = arith.subf %select_n3A, %mul3A_304 : vector<16xf32>
        %le3A = arith.constant 0.000000e+00 : f32
        %le3A_306 = vector.broadcast %le3A : f32 to vector<16xf32>
        %le3A_307 = arith.cmpf ole, %sub3A_297, %le3A_306 : vector<16xf32>
        %mul3A_308 = arith.mulf %sub3A_297, %sub3A_297 : vector<16xf32>
        %le3A_309 = arith.cmpf ole, %mul3A_308, %select_n3A_284 : vector<16xf32>
        %or3A = arith.ori %le3A_307, %le3A_309 : vector<16xi1>
        %and3A_310 = arith.andi %and3A_260, %or3A : vector<16xi1>
        %le3A_311 = arith.constant 0.000000e+00 : f32
        %le3A_312 = vector.broadcast %le3A_311 : f32 to vector<16xf32>
        %le3A_313 = arith.cmpf ole, %sub3A_305, %le3A_312 : vector<16xf32>
        %mul3A_314 = arith.mulf %sub3A_305, %sub3A_305 : vector<16xf32>
        %le3A_315 = arith.cmpf ole, %mul3A_314, %select_n3A_284 : vector<16xf32>
        %or3A_316 = arith.ori %le3A_313, %le3A_315 : vector<16xi1>
        %and3A_317 = arith.andi %and3A_263, %or3A_316 : vector<16xi1>
        %add3A_318 = arith.constant 1 : i32
        %add3A_319 = vector.broadcast %add3A_318 : i32 to vector<16xi32>
        %add3A_320 = arith.addi %while3A_251, %add3A_319 : vector<16xi32>
        %sub3A_321 = arith.constant 1 : i32
        %sub3A_322 = vector.broadcast %sub3A_321 : i32 to vector<16xi32>
        %sub3A_323 = arith.subi %while3A_252, %sub3A_322 : vector<16xi32>
        scf.yield %add3A_320, %sub3A_323, %select_n3A_284, %select_n3A_285, %and3A_310, %and3A_317 : vector<16xi32>, vector<16xi32>, vector<16xf32>, vector<16xi32>, vector<16xi1>, vector<16xi1>
      }
      %gather3A_112 = tpu.vector_load_idx %arg10[%while3A#3] : memref<2048xi32, #tpu.memory_space<vmem>>[vector<16xi32>], vector<16xi32>,
      %jit3A = arith.constant 6 : i32
      %div3A = arith.divsi %scan3A_67, %jit3A : i32
      %sign3A = arith.constant 0 : i32
      %sign3A_113 = arith.cmpi sgt, %scan3A_67, %sign3A : i32
      %sign3A_114 = arith.extui %sign3A_113 : i1 to i32
      %sign3A_115 = arith.constant 0 : i32
      %sign3A_116 = arith.cmpi slt, %scan3A_67, %sign3A_115 : i32
      %sign3A_117 = arith.extui %sign3A_116 : i1 to i32
      %sign3A_118 = arith.subi %sign3A_114, %sign3A_117 : i32
      %sign3A_119 = arith.constant 0 : i32
      %sign3A_120 = arith.cmpi sgt, %jit3A, %sign3A_119 : i32
      %sign3A_121 = arith.extui %sign3A_120 : i1 to i32
      %sign3A_122 = arith.constant 0 : i32
      %sign3A_123 = arith.cmpi slt, %jit3A, %sign3A_122 : i32
      %sign3A_124 = arith.extui %sign3A_123 : i1 to i32
      %sign3A_125 = arith.subi %sign3A_121, %sign3A_124 : i32
      %ne3A = arith.cmpi ne, %sign3A_118, %sign3A_125 : i32
      %rem3A = arith.remsi %scan3A_67, %jit3A : i32
      %ne3A_126 = arith.constant 0 : i32
      %ne3A_127 = arith.cmpi ne, %rem3A, %ne3A_126 : i32
      %and3A_128 = arith.andi %ne3A, %ne3A_127 : i1
      %sub3A_129 = arith.constant 1 : i32
      %sub3A_130 = arith.subi %div3A, %sub3A_129 : i32
      %select_n3A_131 = arith.select %and3A_128, %sub3A_130, %div3A : i32
      %jit3A_132 = arith.constant 6 : i32
      %eq3A_133 = arith.constant 0 : i32
      %eq3A_134 = arith.cmpi eq, %jit3A_132, %eq3A_133 : i32
      %jit3A_135 = arith.constant 1 : i32
      %select_n3A_136 = arith.select %eq3A_134, %jit3A_135, %jit3A_132 : i32
      %rem3A_137 = arith.remsi %scan3A_67, %select_n3A_136 : i32
      %ne3A_138 = arith.constant 0 : i32
      %ne3A_139 = arith.cmpi ne, %rem3A_137, %ne3A_138 : i32
      %lt3A = arith.constant 0 : i32
      %lt3A_140 = arith.cmpi slt, %rem3A_137, %lt3A : i32
      %lt3A_141 = arith.constant 0 : i32
      %lt3A_142 = arith.cmpi slt, %select_n3A_136, %lt3A_141 : i32
      %ne3A_143 = arith.xori %lt3A_140, %lt3A_142 : i1
      %and3A_144 = arith.andi %ne3A_143, %ne3A_139 : i1
      %add3A_145 = arith.addi %rem3A_137, %select_n3A_136 : i32
      %select_n3A_146 = arith.select %and3A_144, %add3A_145, %rem3A_137 : i32
      %mul3A_147 = arith.constant 16 : i32
      %mul3A_148 = arith.muli %select_n3A_146, %mul3A_147 : i32
      %swap3A = arith.index_cast %select_n3A_131 : i32 to index
      %swap3A_149 = arith.index_cast %mul3A_148 : i32 to index
      %swap3A_150 = tpu.vector_load %arg13[%swap3A, %swap3A_149] {strides = array<i32>} : memref<2x96xi32, #tpu.memory_space<vmem>>, vector<16xi32>,
      tpu.vector_store %arg13[%swap3A, %swap3A_149], %gather3A_112 {strides = array<i32>} : memref<2x96xi32, #tpu.memory_space<vmem>>, vector<16xi32>,
      %scan3A_151 = arith.constant 0 : i32
      %scan3A_152 = arith.constant 1 : i32
      %scan3A_153 = arith.addi %scan3A_67, %scan3A_152 : i32
      %mul3A_154 = arith.constant 16 : i32
      %mul3A_155 = arith.muli %scan3A_153, %mul3A_154 : i32
      %add3A_156 = arith.addi %mul3A_2, %mul3A_155 : i32
      %add3A_157 = vector.broadcast %add3A_156 : i32 to vector<16xi32>
      %add3A_158 = arith.addi %add3A_157, %iota3A : vector<16xi32>
      %and3A_159 = arith.constant 2047 : i32
      %and3A_160 = vector.broadcast %and3A_159 : i32 to vector<16xi32>
      %and3A_161 = arith.andi %add3A_158, %and3A_160 : vector<16xi32>
      %shift_right_arithmetic3A_162 = arith.constant 11 : i32
      %shift_right_arithmetic3A_163 = vector.broadcast %shift_right_arithmetic3A_162 : i32 to vector<16xi32>
      %shift_right_arithmetic3A_164 = arith.shrsi %add3A_158, %shift_right_arithmetic3A_163 : vector<16xi32>
      %gather3A_165 = tpu.vector_load_idx %arg6[%and3A_161] : memref<2048xf32, #tpu.memory_space<vmem>>[vector<16xi32>], vector<16xf32>,
      %gather3A_166 = tpu.vector_load_idx %arg7[%and3A_161] : memref<2048xf32, #tpu.memory_space<vmem>>[vector<16xi32>], vector<16xf32>,
      %eq3A_167 = arith.constant 0 : i32
      %eq3A_168 = vector.broadcast %eq3A_167 : i32 to vector<16xi32>
      %eq3A_169 = arith.cmpi eq, %shift_right_arithmetic3A_164, %eq3A_168 : vector<16xi32>
      %sub3A_170 = vector.broadcast %scan3A_20 : f32 to vector<16xf32>
      %sub3A_171 = arith.subf %gather3A_165, %sub3A_170 : vector<16xf32>
      %add3A_172 = arith.constant 1.000000e-03 : f32
      %add3A_173 = vector.broadcast %add3A_172 : f32 to vector<16xf32>
      %add3A_174 = arith.addf %gather3A_165, %add3A_173 : vector<16xf32>
      %sub3A_175 = vector.broadcast %scan3A_20 : f32 to vector<16xf32>
      %sub3A_176 = arith.subf %add3A_174, %sub3A_175 : vector<16xf32>
      %select_n3A_177 = arith.select %eq3A_169, %sub3A_171, %sub3A_176 : vector<16xi1>, vector<16xf32>
      %eq3A_178 = arith.constant 1 : i32
      %eq3A_179 = vector.broadcast %eq3A_178 : i32 to vector<16xi32>
      %eq3A_180 = arith.cmpi eq, %shift_right_arithmetic3A_164, %eq3A_179 : vector<16xi32>
      %sub3A_181 = vector.broadcast %scan3A_21 : f32 to vector<16xf32>
      %sub3A_182 = arith.subf %gather3A_166, %sub3A_181 : vector<16xf32>
      %add3A_183 = arith.constant 1.000000e-03 : f32
      %add3A_184 = vector.broadcast %add3A_183 : f32 to vector<16xf32>
      %add3A_185 = arith.addf %gather3A_166, %add3A_184 : vector<16xf32>
      %sub3A_186 = vector.broadcast %scan3A_21 : f32 to vector<16xf32>
      %sub3A_187 = arith.subf %add3A_185, %sub3A_186 : vector<16xf32>
      %select_n3A_188 = arith.select %eq3A_180, %sub3A_182, %sub3A_187 : vector<16xi1>, vector<16xf32>
      %gather3A_189 = tpu.vector_load_idx %arg11[%and3A_161] : memref<2048xi32, #tpu.memory_space<vmem>>[vector<16xi32>], vector<16xi32>,
      %sub3A_190 = arith.subf %select_n3A_177, %gather3A_165 : vector<16xf32>
      %sub3A_191 = arith.subf %select_n3A_188, %gather3A_166 : vector<16xf32>
      %mul3A_192 = arith.mulf %sub3A_190, %sub3A_190 : vector<16xf32>
      %mul3A_193 = arith.mulf %sub3A_191, %sub3A_191 : vector<16xf32>
      %add3A_194 = arith.addf %mul3A_192, %mul3A_193 : vector<16xf32>
      %broadcast_in_dim3A_195 = arith.constant true
      %broadcast_in_dim3A_196 = vector.broadcast %broadcast_in_dim3A_195 : i1 to vector<16xi1>
      %add3A_197 = arith.constant 1 : i32
      %add3A_198 = vector.broadcast %add3A_197 : i32 to vector<16xi32>
      %add3A_199 = arith.addi %gather3A_189, %add3A_198 : vector<16xi32>
      %sub3A_200 = arith.constant 1 : i32
      %sub3A_201 = vector.broadcast %sub3A_200 : i32 to vector<16xi32>
      %sub3A_202 = arith.subi %gather3A_189, %sub3A_201 : vector<16xi32>
      %while3A_203:6 = scf.while (%while3A_251 = %add3A_199, %while3A_252 = %sub3A_202, %while3A_253 = %add3A_194, %while3A_254 = %gather3A_189, %while3A_255 = %broadcast_in_dim3A_196, %while3A_256 = %broadcast_in_dim3A_196) : (vector<16xi32>, vector<16xi32>, vector<16xf32>, vector<16xi32>, vector<16xi1>, vector<16xi1>) -> (vector<16xi32>, vector<16xi32>, vector<16xf32>, vector<16xi32>, vector<16xi1>, vector<16xi1>) {
        %or3A = arith.ori %while3A_255, %while3A_256 : vector<16xi1>
        %reduce_or3A = arith.constant 1.000000e+00 : f32
        %reduce_or3A_257 = arith.constant 0.000000e+00 : f32
        %reduce_or3A_258 = vector.broadcast %reduce_or3A : f32 to vector<16xf32>
        %reduce_or3A_259 = vector.broadcast %reduce_or3A_257 : f32 to vector<16xf32>
        %reduce_or3A_260 = arith.select %or3A, %reduce_or3A_258, %reduce_or3A_259 : vector<16xi1>, vector<16xf32>
        %reduce_or3A_261 = arith.constant true
        %reduce_or3A_262 = vector.broadcast %reduce_or3A_261 : i1 to vector<16xi1>
        %reduce_or3A_263 = tpu.scan <max>, %reduce_or3A_260 masked %reduce_or3A_262 : vector<16xf32>, vector<16xi1> -> vector<16xf32>
        %reduce_or3A_264 = vector.extract %reduce_or3A_263[15] : f32 from vector<16xf32>
        %reduce_or3A_265 = arith.constant 0.000000e+00 : f32
        %reduce_or3A_266 = arith.cmpf ogt, %reduce_or3A_264, %reduce_or3A_265 : f32
        scf.condition(%reduce_or3A_266) %while3A_251, %while3A_252, %while3A_253, %while3A_254, %while3A_255, %while3A_256 : vector<16xi32>, vector<16xi32>, vector<16xf32>, vector<16xi32>, vector<16xi1>, vector<16xi1>
      } do {
      ^bb0(%while3A_251: vector<16xi32>, %while3A_252: vector<16xi32>, %while3A_253: vector<16xf32>, %while3A_254: vector<16xi32>, %while3A_255: vector<16xi1>, %while3A_256: vector<16xi1>):
        %lt3A_257 = arith.constant 2048 : i32
        %lt3A_258 = vector.broadcast %lt3A_257 : i32 to vector<16xi32>
        %lt3A_259 = arith.cmpi slt, %while3A_251, %lt3A_258 : vector<16xi32>
        %and3A_260 = arith.andi %while3A_255, %lt3A_259 : vector<16xi1>
        %ge3A = arith.constant 0 : i32
        %ge3A_261 = vector.broadcast %ge3A : i32 to vector<16xi32>
        %ge3A_262 = arith.cmpi sge, %while3A_252, %ge3A_261 : vector<16xi32>
        %and3A_263 = arith.andi %while3A_256, %ge3A_262 : vector<16xi1>
        %gather3A_264 = tpu.vector_load_idx %arg8[%while3A_251] masked %and3A_260 : memref<2048xf32, #tpu.memory_space<vmem>>[vector<16xi32>], vector<16xf32>, vector<16xi1>
        %gather3A_265 = tpu.vector_load_idx %arg9[%while3A_251] masked %and3A_260 : memref<2048xf32, #tpu.memory_space<vmem>>[vector<16xi32>], vector<16xf32>, vector<16xi1>
        %gather3A_266 = tpu.vector_load_idx %arg8[%while3A_252] masked %and3A_263 : memref<2048xf32, #tpu.memory_space<vmem>>[vector<16xi32>], vector<16xf32>, vector<16xi1>
        %gather3A_267 = tpu.vector_load_idx %arg9[%while3A_252] masked %and3A_263 : memref<2048xf32, #tpu.memory_space<vmem>>[vector<16xi32>], vector<16xf32>, vector<16xi1>
        %sub3A_268 = arith.subf %select_n3A_177, %gather3A_264 : vector<16xf32>
        %sub3A_269 = arith.subf %select_n3A_188, %gather3A_265 : vector<16xf32>
        %mul3A_270 = arith.mulf %sub3A_268, %sub3A_268 : vector<16xf32>
        %mul3A_271 = arith.mulf %sub3A_269, %sub3A_269 : vector<16xf32>
        %add3A_272 = arith.addf %mul3A_270, %mul3A_271 : vector<16xf32>
        %sub3A_273 = arith.subf %select_n3A_177, %gather3A_266 : vector<16xf32>
        %sub3A_274 = arith.subf %select_n3A_188, %gather3A_267 : vector<16xf32>
        %mul3A_275 = arith.mulf %sub3A_273, %sub3A_273 : vector<16xf32>
        %mul3A_276 = arith.mulf %sub3A_274, %sub3A_274 : vector<16xf32>
        %add3A_277 = arith.addf %mul3A_275, %mul3A_276 : vector<16xf32>
        %lt3A_278 = arith.cmpf olt, %add3A_272, %while3A_253 : vector<16xf32>
        %and3A_279 = arith.andi %and3A_260, %lt3A_278 : vector<16xi1>
        %select_n3A_280 = arith.select %and3A_279, %add3A_272, %while3A_253 : vector<16xi1>, vector<16xf32>
        %select_n3A_281 = arith.select %and3A_279, %while3A_251, %while3A_254 : vector<16xi1>, vector<16xi32>
        %lt3A_282 = arith.cmpf olt, %add3A_277, %select_n3A_280 : vector<16xf32>
        %and3A_283 = arith.andi %and3A_263, %lt3A_282 : vector<16xi1>
        %select_n3A_284 = arith.select %and3A_283, %add3A_277, %select_n3A_280 : vector<16xi1>, vector<16xf32>
        %select_n3A_285 = arith.select %and3A_283, %while3A_252, %select_n3A_281 : vector<16xi1>, vector<16xi32>
        %mul3A_286 = arith.constant 1.024000e+03 : f32
        %mul3A_287 = vector.broadcast %mul3A_286 : f32 to vector<16xf32>
        %mul3A_288 = arith.mulf %gather3A_264, %mul3A_287 : vector<16xf32>
        %convert_element_type3A = arith.fptosi %mul3A_288 : vector<16xf32> to vector<16xi32>
        %mul3A_289 = arith.constant 1.024000e+03 : f32
        %mul3A_290 = vector.broadcast %mul3A_289 : f32 to vector<16xf32>
        %mul3A_291 = arith.mulf %gather3A_266, %mul3A_290 : vector<16xf32>
        %convert_element_type3A_292 = arith.fptosi %mul3A_291 : vector<16xf32> to vector<16xi32>
        %convert_element_type3A_293 = arith.sitofp %convert_element_type3A : vector<16xi32> to vector<16xf32>
        %mul3A_294 = arith.constant 9.765625E-4 : f32
        %mul3A_295 = vector.broadcast %mul3A_294 : f32 to vector<16xf32>
        %mul3A_296 = arith.mulf %convert_element_type3A_293, %mul3A_295 : vector<16xf32>
        %sub3A_297 = arith.subf %mul3A_296, %select_n3A_177 : vector<16xf32>
        %add3A_298 = arith.constant 1 : i32
        %add3A_299 = vector.broadcast %add3A_298 : i32 to vector<16xi32>
        %add3A_300 = arith.addi %convert_element_type3A_292, %add3A_299 : vector<16xi32>
        %convert_element_type3A_301 = arith.sitofp %add3A_300 : vector<16xi32> to vector<16xf32>
        %mul3A_302 = arith.constant 9.765625E-4 : f32
        %mul3A_303 = vector.broadcast %mul3A_302 : f32 to vector<16xf32>
        %mul3A_304 = arith.mulf %convert_element_type3A_301, %mul3A_303 : vector<16xf32>
        %sub3A_305 = arith.subf %select_n3A_177, %mul3A_304 : vector<16xf32>
        %le3A = arith.constant 0.000000e+00 : f32
        %le3A_306 = vector.broadcast %le3A : f32 to vector<16xf32>
        %le3A_307 = arith.cmpf ole, %sub3A_297, %le3A_306 : vector<16xf32>
        %mul3A_308 = arith.mulf %sub3A_297, %sub3A_297 : vector<16xf32>
        %le3A_309 = arith.cmpf ole, %mul3A_308, %select_n3A_284 : vector<16xf32>
        %or3A = arith.ori %le3A_307, %le3A_309 : vector<16xi1>
        %and3A_310 = arith.andi %and3A_260, %or3A : vector<16xi1>
        %le3A_311 = arith.constant 0.000000e+00 : f32
        %le3A_312 = vector.broadcast %le3A_311 : f32 to vector<16xf32>
        %le3A_313 = arith.cmpf ole, %sub3A_305, %le3A_312 : vector<16xf32>
        %mul3A_314 = arith.mulf %sub3A_305, %sub3A_305 : vector<16xf32>
        %le3A_315 = arith.cmpf ole, %mul3A_314, %select_n3A_284 : vector<16xf32>
        %or3A_316 = arith.ori %le3A_313, %le3A_315 : vector<16xi1>
        %and3A_317 = arith.andi %and3A_263, %or3A_316 : vector<16xi1>
        %add3A_318 = arith.constant 1 : i32
        %add3A_319 = vector.broadcast %add3A_318 : i32 to vector<16xi32>
        %add3A_320 = arith.addi %while3A_251, %add3A_319 : vector<16xi32>
        %sub3A_321 = arith.constant 1 : i32
        %sub3A_322 = vector.broadcast %sub3A_321 : i32 to vector<16xi32>
        %sub3A_323 = arith.subi %while3A_252, %sub3A_322 : vector<16xi32>
        scf.yield %add3A_320, %sub3A_323, %select_n3A_284, %select_n3A_285, %and3A_310, %and3A_317 : vector<16xi32>, vector<16xi32>, vector<16xf32>, vector<16xi32>, vector<16xi1>, vector<16xi1>
      }
      %gather3A_204 = tpu.vector_load_idx %arg10[%while3A_203#3] : memref<2048xi32, #tpu.memory_space<vmem>>[vector<16xi32>], vector<16xi32>,
      %jit3A_205 = arith.constant 6 : i32
      %div3A_206 = arith.divsi %scan3A_153, %jit3A_205 : i32
      %sign3A_207 = arith.constant 0 : i32
      %sign3A_208 = arith.cmpi sgt, %scan3A_153, %sign3A_207 : i32
      %sign3A_209 = arith.extui %sign3A_208 : i1 to i32
      %sign3A_210 = arith.constant 0 : i32
      %sign3A_211 = arith.cmpi slt, %scan3A_153, %sign3A_210 : i32
      %sign3A_212 = arith.extui %sign3A_211 : i1 to i32
      %sign3A_213 = arith.subi %sign3A_209, %sign3A_212 : i32
      %sign3A_214 = arith.constant 0 : i32
      %sign3A_215 = arith.cmpi sgt, %jit3A_205, %sign3A_214 : i32
      %sign3A_216 = arith.extui %sign3A_215 : i1 to i32
      %sign3A_217 = arith.constant 0 : i32
      %sign3A_218 = arith.cmpi slt, %jit3A_205, %sign3A_217 : i32
      %sign3A_219 = arith.extui %sign3A_218 : i1 to i32
      %sign3A_220 = arith.subi %sign3A_216, %sign3A_219 : i32
      %ne3A_221 = arith.cmpi ne, %sign3A_213, %sign3A_220 : i32
      %rem3A_222 = arith.remsi %scan3A_153, %jit3A_205 : i32
      %ne3A_223 = arith.constant 0 : i32
      %ne3A_224 = arith.cmpi ne, %rem3A_222, %ne3A_223 : i32
      %and3A_225 = arith.andi %ne3A_221, %ne3A_224 : i1
      %sub3A_226 = arith.constant 1 : i32
      %sub3A_227 = arith.subi %div3A_206, %sub3A_226 : i32
      %select_n3A_228 = arith.select %and3A_225, %sub3A_227, %div3A_206 : i32
      %jit3A_229 = arith.constant 6 : i32
      %eq3A_230 = arith.constant 0 : i32
      %eq3A_231 = arith.cmpi eq, %jit3A_229, %eq3A_230 : i32
      %jit3A_232 = arith.constant 1 : i32
      %select_n3A_233 = arith.select %eq3A_231, %jit3A_232, %jit3A_229 : i32
      %rem3A_234 = arith.remsi %scan3A_153, %select_n3A_233 : i32
      %ne3A_235 = arith.constant 0 : i32
      %ne3A_236 = arith.cmpi ne, %rem3A_234, %ne3A_235 : i32
      %lt3A_237 = arith.constant 0 : i32
      %lt3A_238 = arith.cmpi slt, %rem3A_234, %lt3A_237 : i32
      %lt3A_239 = arith.constant 0 : i32
      %lt3A_240 = arith.cmpi slt, %select_n3A_233, %lt3A_239 : i32
      %ne3A_241 = arith.xori %lt3A_238, %lt3A_240 : i1
      %and3A_242 = arith.andi %ne3A_241, %ne3A_236 : i1
      %add3A_243 = arith.addi %rem3A_234, %select_n3A_233 : i32
      %select_n3A_244 = arith.select %and3A_242, %add3A_243, %rem3A_234 : i32
      %mul3A_245 = arith.constant 16 : i32
      %mul3A_246 = arith.muli %select_n3A_244, %mul3A_245 : i32
      %swap3A_247 = arith.index_cast %select_n3A_228 : i32 to index
      %swap3A_248 = arith.index_cast %mul3A_246 : i32 to index
      %swap3A_249 = tpu.vector_load %arg13[%swap3A_247, %swap3A_248] {strides = array<i32>} : memref<2x96xi32, #tpu.memory_space<vmem>>, vector<16xi32>,
      tpu.vector_store %arg13[%swap3A_247, %swap3A_248], %gather3A_204 {strides = array<i32>} : memref<2x96xi32, #tpu.memory_space<vmem>>, vector<16xi32>,
      %scan3A_250 = arith.constant 0 : i32
      scf.yield %scan3A_250 : i32
    }
    %scan3A_28 = arith.constant 12 : i32
    %dma_start3A = arith.constant 0 : i32
    %dma_start3A_29 = arith.constant 0 : i32
    %dma_start3A_30 = arith.constant 0 : i32
    %dma_start3A_31 = tpu.memref_slice %arg14[%dma_start3A_29, %dma_start3A_30] : memref<192x128xf32, #tpu.memory_space<vmem>> -> memref<96x128xf32, #tpu.memory_space<vmem>>
    %dma_start3A_32 = arith.constant 0 : i32
    %dma_start3A_33 = tpu.memref_slice %arg13[%dma_start3A, %dma_start3A_32] : memref<2x96xi32, #tpu.memory_space<vmem>> -> memref<1x96xi32, #tpu.memory_space<vmem>>
    %dma_start3A_34 = tpu.memref_squeeze %dma_start3A_33 : memref<1x96xi32, #tpu.memory_space<vmem>> -> memref<96xi32, #tpu.memory_space<vmem>>
    %dma_start3A_35 = arith.constant 0 : i32
    %dma_start3A_36 = arith.constant 0 : i32
    %dma_start3A_37 = tpu.memref_slice %arg4[%dma_start3A_35, %dma_start3A_36] : memref<2048x128xf32, #tpu.memory_space<hbm>> -> memref<2048x128xf32, #tpu.memory_space<hbm>>
    tpu.enqueue_indirect_dma source(%dma_start3A_37 : memref<2048x128xf32, #tpu.memory_space<hbm>>) target(%dma_start3A_31 : memref<96x128xf32, #tpu.memory_space<vmem>>) offsets(%dma_start3A_34 : memref<96xi32, #tpu.memory_space<vmem>>) semaphore(%arg15 : memref<!tpu.dma_semaphore, #tpu.memory_space<semaphore_mem>>)
    %dma_start3A_38 = arith.constant 1 : i32
    %dma_start3A_39 = arith.constant 96 : i32
    %dma_start3A_40 = arith.constant 0 : i32
    %dma_start3A_41 = tpu.memref_slice %arg14[%dma_start3A_39, %dma_start3A_40] : memref<192x128xf32, #tpu.memory_space<vmem>> -> memref<96x128xf32, #tpu.memory_space<vmem>>
    %dma_start3A_42 = arith.constant 0 : i32
    %dma_start3A_43 = tpu.memref_slice %arg13[%dma_start3A_38, %dma_start3A_42] : memref<2x96xi32, #tpu.memory_space<vmem>> -> memref<1x96xi32, #tpu.memory_space<vmem>>
    %dma_start3A_44 = tpu.memref_squeeze %dma_start3A_43 : memref<1x96xi32, #tpu.memory_space<vmem>> -> memref<96xi32, #tpu.memory_space<vmem>>
    %dma_start3A_45 = arith.constant 0 : i32
    %dma_start3A_46 = arith.constant 0 : i32
    %dma_start3A_47 = tpu.memref_slice %arg4[%dma_start3A_45, %dma_start3A_46] : memref<2048x128xf32, #tpu.memory_space<hbm>> -> memref<2048x128xf32, #tpu.memory_space<hbm>>
    tpu.enqueue_indirect_dma source(%dma_start3A_47 : memref<2048x128xf32, #tpu.memory_space<hbm>>) target(%dma_start3A_41 : memref<96x128xf32, #tpu.memory_space<vmem>>) offsets(%dma_start3A_44 : memref<96xi32, #tpu.memory_space<vmem>>) semaphore(%arg15 : memref<!tpu.dma_semaphore, #tpu.memory_space<semaphore_mem>>)
    %dma_wait3A = arith.constant 0 : i32
    %dma_wait3A_48 = arith.constant 0 : i32
    %dma_wait3A_49 = arith.constant 0 : i32
    %dma_wait3A_50 = tpu.memref_slice %arg14[%dma_wait3A_48, %dma_wait3A_49] : memref<192x128xf32, #tpu.memory_space<vmem>> -> memref<96x128xf32, #tpu.memory_space<vmem>>
    %dma_wait3A_51 = arith.constant 0 : i32
    %dma_wait3A_52 = tpu.memref_slice %arg13[%dma_wait3A, %dma_wait3A_51] : memref<2x96xi32, #tpu.memory_space<vmem>> -> memref<1x96xi32, #tpu.memory_space<vmem>>
    %dma_wait3A_53 = tpu.memref_squeeze %dma_wait3A_52 : memref<1x96xi32, #tpu.memory_space<vmem>> -> memref<96xi32, #tpu.memory_space<vmem>>
    %dma_wait3A_54 = arith.constant 0 : i32
    %dma_wait3A_55 = arith.constant 0 : i32
    %dma_wait3A_56 = tpu.memref_slice %arg4[%dma_wait3A_54, %dma_wait3A_55] : memref<2048x128xf32, #tpu.memory_space<hbm>> -> memref<2048x128xf32, #tpu.memory_space<hbm>>
    tpu.wait_indirect_dma semaphore(%arg15 : memref<!tpu.dma_semaphore, #tpu.memory_space<semaphore_mem>>) src(%dma_wait3A_56 : memref<2048x128xf32, #tpu.memory_space<hbm>>) dst(%dma_wait3A_50 : memref<96x128xf32, #tpu.memory_space<vmem>>)
    %dma_wait3A_57 = arith.constant 1 : i32
    %dma_wait3A_58 = arith.constant 96 : i32
    %dma_wait3A_59 = arith.constant 0 : i32
    %dma_wait3A_60 = tpu.memref_slice %arg14[%dma_wait3A_58, %dma_wait3A_59] : memref<192x128xf32, #tpu.memory_space<vmem>> -> memref<96x128xf32, #tpu.memory_space<vmem>>
    %dma_wait3A_61 = arith.constant 0 : i32
    %dma_wait3A_62 = tpu.memref_slice %arg13[%dma_wait3A_57, %dma_wait3A_61] : memref<2x96xi32, #tpu.memory_space<vmem>> -> memref<1x96xi32, #tpu.memory_space<vmem>>
    %dma_wait3A_63 = tpu.memref_squeeze %dma_wait3A_62 : memref<1x96xi32, #tpu.memory_space<vmem>> -> memref<96xi32, #tpu.memory_space<vmem>>
    %dma_wait3A_64 = arith.constant 0 : i32
    %dma_wait3A_65 = arith.constant 0 : i32
    %dma_wait3A_66 = tpu.memref_slice %arg4[%dma_wait3A_64, %dma_wait3A_65] : memref<2048x128xf32, #tpu.memory_space<hbm>> -> memref<2048x128xf32, #tpu.memory_space<hbm>>
    tpu.wait_indirect_dma semaphore(%arg15 : memref<!tpu.dma_semaphore, #tpu.memory_space<semaphore_mem>>) src(%dma_wait3A_66 : memref<2048x128xf32, #tpu.memory_space<hbm>>) dst(%dma_wait3A_60 : memref<96x128xf32, #tpu.memory_space<vmem>>)
    "tpu.region"() ({
      %run_scoped3A = tpu.sem_alloc : memref<!tpu.dma_semaphore, #tpu.memory_space<semaphore_mem>>
      %dma_start3A_67 = arith.constant 0 : i32
      %dma_start3A_68 = tpu.memref_slice %arg5[%mul3A_2, %dma_start3A_67] : memref<6144x128xf32, #tpu.memory_space<hbm>> -> memref<192x128xf32, #tpu.memory_space<hbm>>
      %dma_start3A_69 = arith.constant 0 : i32
      %dma_start3A_70 = tpu.memref_slice %arg5[%mul3A_2, %dma_start3A_69] : memref<6144x128xf32, #tpu.memory_space<hbm>> -> memref<192x128xf32, #tpu.memory_space<hbm>>
      tpu.enqueue_dma source(%arg14 : memref<192x128xf32, #tpu.memory_space<vmem>>) target(%dma_start3A_70 : memref<192x128xf32, #tpu.memory_space<hbm>>) target_semaphore(%run_scoped3A : memref<!tpu.dma_semaphore, #tpu.memory_space<semaphore_mem>>)
      %dma_wait3A_71 = arith.constant 0 : i32
      %dma_wait3A_72 = tpu.memref_slice %arg5[%mul3A_2, %dma_wait3A_71] : memref<6144x128xf32, #tpu.memory_space<hbm>> -> memref<192x128xf32, #tpu.memory_space<hbm>>
      %dma_wait3A_73 = arith.constant 0 : i32
      %dma_wait3A_74 = tpu.memref_slice %arg5[%mul3A_2, %dma_wait3A_73] : memref<6144x128xf32, #tpu.memory_space<hbm>> -> memref<192x128xf32, #tpu.memory_space<hbm>>
      tpu.wait_dma2 semaphore(%run_scoped3A : memref<!tpu.dma_semaphore, #tpu.memory_space<semaphore_mem>>) src(%arg14 : memref<192x128xf32, #tpu.memory_space<vmem>>) dst(%dma_wait3A_74 : memref<192x128xf32, #tpu.memory_space<hbm>>)
      tpu.yield
    }) : () -> ()
    return
  }
}

</mosaic_0001>

<sc_bundles>
// kernel: kernel.3.cloned.1.call-start
scs
__scs_entry_jumppad:
0x0: {  	(pc) =	sbr.rel $0x88, $3  }
0x1: {  	(tag) =	ssettag $0x0;
	lr =	simm.s32 $0x1  }
0x2: {  	[smem:$0x3F9F] =	sst lr;
	_ =	strace $0xD0000000  }
0x3: {  	_ = 	snop  }
0x4: {  	_ = 	snop  }
0x5: {  	_ = 	snop  }
0x6: {  	_ = 	snop  }
0x7: {  	_ = 	snop  }
__scs_overlays_trampoline_lowered:
0x8: {  	[smem:$0x3FAE] =	sst s0  }
0x9: {  	[smem:$0x3FAF] =	sst s1  }
0xa: {  	[smem:$0x3FB0] =	sst s2  }
0xb: {  	[smem:$0x3FB1] =	sst s3  }
0xc: {  	[smem:$0x3FB2] =	sst s4  }
0xd: {  	[smem:$0x3FB3] =	sst s5  }
0xe: {  	[smem:$0x3FB4] =	sst s6  }
0xf: {  	[smem:$0x3FB5] =	sst s7  }
0x10: {  	[smem:$0x3FB6] =	sst s8  }
0x11: {  	[smem:$0x3FB7] =	sst s9;
	s0 =	simm.s32 @!p0 $0x0  }
0x12: {  	s1 =	sld [smem:$0x3F9D];
	s0 =	simm.s32 @p0 $0x1  }
0x13: {  	[smem:$0x3FB8] =	sst s0;
	s0 =	simm.s32 @!p1 $0x0  }
0x14: {  	s2 =	sld [smem:$0x3F9C];
	s0 =	simm.s32 @p1 $0x1  }
0x15: {  	[smem:$0x3FB9] =	sst s0;
	s0 =	simm.s32 @!p2 $0x0  }
0x16: {  	s3 =	sld [smem:$0x3FDB];
	s0 =	simm.s32 @p2 $0x1  }
0x17: {  	s4 =	simm.s32 $0x1BF5;
	[smem:$0x3FBB] =	sst s0  }
0x18: {  	s0 =	sld [smem:$0x3F9E];
	_ =	swait.ge [sflag:s4], $0x0  }
0x19: {  	s7 =	sld [smem:$0x3F9F]  }
0x1a: {  	s8 =	sadd.s32 $0xFFFFE003, lr  }
0x1b: {  	s9 =	sadd.s32 $0xFFFFFEF7, lr;
	s5 =	simm.s32 $0xFFFFFFFF;
	p2 =	slt.u32 s8, $0xFFFFF086  }
0x1c: {  	p1 =	slt.u32 s9, $0xF7A;
	s5 =	simm.s32 @!p2 $0x0  }
0x1d: {  	s5 =	simm.s32 @p1 $0x1;
	p0 =	seq.s32 s7, s2  }
0x1e: {  	s7 =	smul.u32 @!p0 $0xF7A, s2;
	p2 =	seq.s32 @!p0 s5, $0x0  }
0x1f: {  	s9 =	smul.u32 $0xF7A, s1;
	s8 =	simm.s32 @!p0 $0x1BF5;
	p2 =	por !p2, p0  }
0x20: {  	[sflag:s8] =	ssyncset.s32 @!p0 $0xFFFFF086;
	s6 =	sadd.s32 @!p0 s3, s7;
	s7 =	simm.s32 @!p0 $0x108  }
0x21: {  	s3 =	sadd.s32 s3, s9;
	s6 =	sadd.s32 @!p0 $0x88, s6;
	s7 =	simm.s32 @p2 $0x1082  }
0x22: {  	[simem:s7], [sflag:s8] =	dma.local @!p0 [hbm:s6], $0xF7A  }
0x23: {  	s9 =	sor.u32 $0xD0000000, s2;
	s6 =	simm.s32 $0x108;
	_ =	swait.ge @!p0 [sflag:s8], $0x0  }
0x24: {  	s3 =	sadd.s32 $0x88, s3;
	s6 =	simm.s32 @!p1 $0x1082;
	[sflag:s4] =	ssyncset.s32 $0xFFFFF086  }
0x25: {  	[simem:s6], [sflag:s4] =	dma.local [hbm:s3], $0xF7A  }
0x26: {  	[smem:$0x3F9F] =	sst s1;
	(tag) =	ssettag s2;
	_ =	strace s9  }
0x27: {  	s1 =	sld [smem:$0x3FAF]  }
0x28: {  	s2 =	sld [smem:$0x3FB0]  }
0x29: {  	s4 =	sld [smem:$0x3FB2]  }
0x2a: {  	p0 =	seq.s32 s5, $0x0;
	s5 =	sld [smem:$0x3FB3]  }
0x2b: {  	s6 =	sld [smem:$0x3FB4]  }
0x2c: {  	s7 =	sld [smem:$0x3FB5]  }
0x2d: {  	s3 =	simm.s32 $0x108;
	s8 =	sld [smem:$0x3FB6]  }
0x2e: {  	s3 =	simm.s32 @!p0 $0x1082;
	s9 =	sld [smem:$0x3FB7]  }
0x2f: {  	lr =	sadd.s32 s0, s3;
	s0 =	sld [smem:$0x3FAE]  }
0x30: {  	s3 =	sld [smem:$0x3FB1]  }
0x31: {  	[smem:$0x3FBA] =	sst s10  }
0x32: {  	s10 =	sld [smem:$0x3FB8];
	_ =	sdelay $0x3  }
0x33: {  	p0 =	seq.s32 s10, $0x1;
	s10 =	sld [smem:$0x3FBA];
	_ =	sdelay $0x3  }
0x34: {  	[smem:$0x3FBA] =	sst s10  }
0x35: {  	s10 =	sld [smem:$0x3FB9];
	_ =	sdelay $0x3  }
0x36: {  	p1 =	seq.s32 s10, $0x1;
	s10 =	sld [smem:$0x3FBA];
	_ =	sdelay $0x3  }
0x37: {  	[smem:$0x3FBA] =	sst s10  }
0x38: {  	s10 =	sld [smem:$0x3FBB]  }
0x39: {  	_ = 	snop;
	(pc) =	sbr.ind lr, $3  }
0x3a: {  	_ = 	snop  }
0x3b: {  	_ = 	snop  }
0x3c: {  	p2 =	seq.s32 s10, $0x1;
	s10 =	sld [smem:$0x3FBA]  }
0x3d: {  	_ =	shalt  }
0x3e: {  	_ =	shalt  }
0x3f: {  	_ =	shalt  }
0x40: {  	_ =	shalt  }
0x41: {  	_ =	shalt  }
0x42: {  	_ =	shalt  }
0x43: {  	_ =	shalt  }
0x44: {  	_ =	shalt  }
0x45: {  	_ =	shalt  }
0x46: {  	_ =	shalt  }
0x47: {  	_ =	shalt  }
0x48: {  	_ =	shalt  }
0x49: {  	_ =	shalt  }
0x4a: {  	_ =	shalt  }
0x4b: {  	_ =	shalt  }
0x4c: {  	_ =	shalt  }
0x4d: {  	_ =	shalt  }
0x4e: {  	_ =	shalt  }
0x4f: {  	_ =	shalt  }
0x50: {  	_ =	shalt  }
0x51: {  	_ =	shalt  }
0x52: {  	_ =	shalt  }
0x53: {  	_ =	shalt  }
0x54: {  	_ =	shalt  }
0x55: {  	_ =	shalt  }
0x56: {  	_ =	shalt  }
0x57: {  	_ =	shalt  }
0x58: {  	_ =	shalt  }
0x59: {  	_ =	shalt  }
0x5a: {  	_ =	shalt  }
0x5b: {  	_ =	shalt  }
0x5c: {  	_ =	shalt  }
0x5d: {  	_ =	shalt  }
0x5e: {  	_ =	shalt  }
0x5f: {  	_ =	shalt  }
0x60: {  	_ =	shalt  }
0x61: {  	_ =	shalt  }
0x62: {  	_ =	shalt  }
0x63: {  	_ =	shalt  }
0x64: {  	_ =	shalt  }
0x65: {  	_ =	shalt  }
0x66: {  	_ =	shalt  }
0x67: {  	_ =	shalt  }
0x68: {  	_ =	shalt  }
0x69: {  	_ =	shalt  }
0x6a: {  	_ =	shalt  }
0x6b: {  	_ =	shalt  }
0x6c: {  	_ =	shalt  }
0x6d: {  	_ =	shalt  }
0x6e: {  	_ =	shalt  }
0x6f: {  	_ =	shalt  }
0x70: {  	_ =	shalt  }
0x71: {  	_ =	shalt  }
0x72: {  	_ =	shalt  }
0x73: {  	_ =	shalt  }
0x74: {  	_ =	shalt  }
0x75: {  	_ =	shalt  }
0x76: {  	_ =	shalt  }
0x77: {  	_ =	shalt  }
0x78: {  	_ =	shalt  }
0x79: {  	_ =	shalt  }
0x7a: {  	_ =	shalt  }
0x7b: {  	_ =	shalt  }
0x7c: {  	_ =	shalt  }
0x7d: {  	_ =	shalt  }
0x7e: {  	_ =	shalt  }
0x7f: {  	_ =	shalt  }
0x80: {  	_ =	shalt  }
0x81: {  	_ =	shalt  }
0x82: {  	_ =	shalt  }
0x83: {  	_ =	shalt  }
0x84: {  	_ =	shalt  }
0x85: {  	_ =	shalt  }
0x86: {  	_ =	shalt  }
0x87: {  	_ =	shalt  }
.Lfunc_end0:
.L_simem_size_0:
called_computation_lowered:
.L_overlay_start_0:
0x88: {  	s2 =	sld [smem:$0x3FD9]  }
0x89: {  	s3 =	sld [smem:$0x3FFE];
	_ =	sdelay $0x1  }
0x8a: {  	s1 =	srdreg.scid  }
0x8b: {  	s0 =	sand.u32 $0x1, s1  }
0x8c: {  	s14 =	sshll.u32 s0, $0xA;
	s2 =	sadd.s32 s3, s2  }
0x8d: {  	s2 =	sadd.s32 s2, s14  }
0x8e: {  	[smem:$0x3FC6] =	sst s2  }
0x8f: {  	_ = 	snop  }
0x90: {  	s2 =	sld [smem:$0x3FD0];
	_ =	sdelay $0x2  }
0x91: {  	s15 =	simm.s32 $0xA;
	s4 =	simm.s32 $0x10  }
0x92: {  	[smem:s4], [sflag:s15] =	dma.local [hbm:s2], $0x1  }
0x93: {  	_ =	swait.eq [sflag:s15], $0x1  }
0x94: {  	[sflag:s15] =	ssyncset.done $0x0  }
0x95: {  	[sflag:s15] =	ssyncadd.s32 $0xFFFFFFFF  }
0x96: {  	s16 =	sld [smem:$0x10];
	(tm) =	ssettm $0x1  }
0x97: {  	s17 =	sld [smem:$0x3FFB];
	_ =	sdelay $0x3  }
0x98: {  	_ =	strace s17  }
0x99: {  	s3 =	sld [smem:$0x3FFC];
	_ =	sdelay $0x3  }
0x9a: {  	_ =	strace s3  }
0x9b: {  	s3 =	sld [smem:$0x3FFD];
	_ =	sdelay $0x3  }
0x9c: {  	_ =	strace s3  }
0x9d: {  	_ =	strace $0x8FFFFFFF  }
0x9e: {  	s18 =	sld [smem:$0x3FDB];
	_ =	sdelay $0x1  }
0x9f: {  	s19 =	simm.s32 $_scs_section_size  }
0xa0: {  	s5 =	simm.s32 $_size__tile_overlayer_lowered;
	s6 =	simm.s32 $_tile_overlayer_lowered  }
0xa1: {  	s22 =	simm.s32 $0x1BFF;
	s21 =	sshll.u32 s6, $0x1;
	s3 =	sadd.s32 s19, s18  }
0xa2: {  	s7 =	simm.s32 $0x0;
	s20 =	sshll.u32 s5, $0x1;
	s5 =	sadd.s32 s21, s3  }
0xa3: {  	[timem:s7], [sflag:s22] =	dma.local [hbm:s5], s20  }
0xa4: {  	_ =	swait.ge [sflag:s22], s20  }
0xa5: {  	s4 =	ssub.s32 $0x0, s20;
	[sflag:s22] =	ssyncset.done $0x0  }
0xa6: {  	[sflag:s22] =	ssyncadd.s32 s4;
	_ =	sdelay $0x1  }
0xa7: {  	s23 =	simm.s32 $0x1B8B  }
0xa8: {  	_ =	swait.ge [sflag:s23], $0x1  }
0xa9: {  	[sflag:s23] =	ssyncset.done $0x0  }
0xaa: {  	s25 =	simm.s32 $0x1B8E;
	s24 =	sld [smem:$0x3FFE];
	[sflag:s23] =	ssyncadd.s32 $0xFFFFFFFF  }
0xab: {  	s26 =	simm.s32 $execute0_lowered;
	[smem:$0x3FD2] =	sst s25  }
0xac: {  	s5 =	sshll.u32 s26, $0x1;
	_ =	strace $0x80000046;
	[dreg:$0x1] =	wrdreg $0xFFFFFFFF  }
0xad: {  	s28 =	simm.s32 $_size_execute0_lowered;
	s3 =	sadd.s32 s3, s5;
	[dreg:$0x0] =	wrdreg $0x0  }
0xae: {  	s5 =	sshll.u32 s28, $0x1;
	[dreg:$0x2] =	wrdreg s3  }
0xaf: {  	[dreg:$0x3] =	wrdreg s5  }
0xb0: {  	[dreg:$0x4] =	wrdreg $0xC0  }
0xb1: {  	_ =	task [dreg:s7], $0x5FFFF  }
0xb2: {  	[dreg:$0x1] =	wrdreg $0xFFFFFFFF  }
0xb3: {  	[dreg:$0x0] =	wrdreg $0x60  }
0xb4: {  	[dreg:$0x2] =	wrdreg s24  }
0xb5: {  	[dreg:$0x3] =	wrdreg s16  }
0xb6: {  	[dreg:$0x4] =	wrdreg $0x9  }
0xb7: {  	_ =	task.clear_ibuf [dreg:s7], $0x5FFFF;
	_ =	strace $0x90000046  }
0xb8: {  	s29 =	simm.s32 $0x9;
	_ =	strace $0x80000048  }
0xb9: {  	_ =	swait.ge [sflag:s29], $0x1  }
0xba: {  	[sflag:s29] =	ssyncadd.s32 $0xFFFFFFFF  }
0xbb: {  	_ =	strace $0x90000048  }
0xbc: {  	_ =	sfence  }
0xbd: {  	s30 =	sld [smem:$0x0];
	_ =	sdelay $0x2  }
0xbe: {  	s31 =	sshll.u32 s1, $0xD;
	s1 =	sshrl.u32 s1, $0x2  }
0xbf: {  	s3 =	sand.u32 $0x4000, s31;
	s1 =	sadd.s32 s1, s30  }
0xc0: {  	s0 =	sor.u32 s3, s0;
	s1 =	sshll.u32 s1, $0x11  }
0xc1: {  	s0 =	sor.u32 s1, s0  }
0xc2: {  	s0 =	sadd.s32 $0x8F2B, s0  }
0xc3: {  	[sflag:s0] =	ssyncadd.remote.s32 $0x1  }
0xc4: {  	_ =	sfence.sel $0xFFFF  }
0xc5: {  	[dreg:$0x0] =	wrdreg $0xFFFFFFFF;
	(pc) =	sbr.abs _section_cstart, $3  }
0xc6: {  	[dreg:$0x1] =	wrdreg $0xFFFFFFFF  }
0xc7: {  	_ =	task.clear_ibuf [dreg:s7], $0x2FFFF;
	_ =	strace $0x9FFFFFFF  }
0xc8: {  	(tm) =	ssettm $0x7FFFFFFF  }
0xc9: {  	_ =	shalt  }
tec
execute0_lowered:
.L_overlay_start_1:
0x0: {  	(tag) =	ssettag $0x1  }
0x1: {  	s0 =	rddreg [dreg:$0x0];
	s1 =	simm.s32 $0x0  }
0x2: {  	[smem:$0x7FF] =	sst s1  }
0x3: {  	s2 =	rddreg [dreg:$0x1];
	v0 =	vimm.f32 $1.000000000e+00;
	_ =	strace $0x80000047  }
0x4: {  	(xrf0) =	vmax.scan.msk.f32 $0xffff, v0;
	_ =	sdelay $0x5  }
0x5: {  	v0, _, _ =	vpop (xrf0)  }
0x6: {  	(v2sf) =	vpush v0, $0xF;
	_ =	sdelay $0x5  }
0x7: {  	s3 =	srdreg.scid;
	s5 =	stileid.u32  }
0x8: {  	s10 =	simm.s32 $0x800;
	s11 =	simm.s32 $0x3000;
	s12 =	simm.s32 $0x1000  }
0x9: {  	s13 =	simm.s32 $0x1800;
	s14 =	simm.s32 $0x2000;
	s16 =	simm.s32 $0x3480  }
0xa: {  	s17 =	simm.s32 $0x60;
	s18 =	simm.s32 $0x3400;
	s19 =	simm.s32 $0x3500  }
0xb: {  	s20 =	simm.s32 $0x6500;
	s21 =	simm.s32 $0x1;
	s22 =	simm.s32 $0x0  }
0xc: {  	s4 =	sand.u32 $0x1, s3;
	s5 =	sshll.u32 s5, $0x1;
	s3 =	sadd.s32 $0x1000, s0  }
.Ltmp0:
0xd: {  	s6 =	ssub.s32 $0x2, s4;
	s7 =	sor.u32 s4, s5;
	(pc) =	sbr.rel .LBB2_1-.Ltmp0, $4  }
0xe: {  	s4 =	sadd.s32 $0xE00, s0;
	s8 =	sshrl.u32 s6, $0x1;
	s9 =	smul.u32 $0xC00, s7  }
0xf: {  	s5 =	sadd.s32 $0x1200, s0;
	s31 =	ssub.s32 s6, s8;
	s6 =	smul.u32 $0xC0, s7  }
0x10: {  	v1 =	vlaneseq.u32;
	s7 =	sadd.s32 s2, s9;
	s8 =	smax.u32 s31, $0x1;
	s15 =	spop (v2sf)  }
0x11: {  	vm0 =	vmmov $0xffff;
	v2 =	vimm.f32 $0.0e+00;
	s9 =	simm.s32 $0x2;
	v0 =	vimm.s32 $0x0;
	p0 =	sgt.f32 s15, $0.0e+00;
	s15 =	simm.s32 $0x2800  }
.LBB2_17:
0x12: {  	[tilespmem:s19], [sflag:$0x1] =	stream.indirect.gather [hbm4b:s5+s17], $0x80, s18, s17, $0xb8;
	[tilespmem:$0x9500] =	vst v63  }
0x13: {  	_ = 	snop  }
0x14: {  	[tilespmem:s20], [sflag:$0x1] =	stream.indirect.gather [hbm4b:s5+s17], $0x80, s16, s17, $0xb8;
	[tilespmem:$0x9500] =	vst v63  }
0x15: {  	_ =	swait.ge [sflag:s21], $0x3000  }
0x16: {  	[sflag:s21] =	ssyncset.done $0x0  }
0x17: {  	[sflag:s21] =	ssyncadd.s32 $0xFFFFD000  }
0x18: {  	s22 =	sadd.s32 $0x1, s22;
	_ =	swait.ge [sflag:s21], $0x3000  }
0x19: {  	p1 =	sne.s32 s22, s8;
	[sflag:s21] =	ssyncset.done $0x0  }
.Ltmp1:
0x1a: {  	[sflag:s21] =	ssyncadd.s32 $0xFFFFD000;
	(pc) =	sbr.rel @!p1 .LBB2_18-.Ltmp1, $4  }
0x1b: {  	[hbm4b:s7+s1] =	stream.linear.scatter [tilespmem:s19], [sflag:$0x2], $0x6000, $0x38;
	[tilespmem:$0x9500] =	vst v63  }
0x1c: {  	_ =	swait.ge [sflag:s9], $0x6000  }
0x1d: {  	[sflag:s9] =	ssyncset.done $0x0  }
0x1e: {  	[sflag:s9] =	ssyncadd.s32 $0xFFFFA000  }
.LBB2_1:
0x1f: {  	[tilespmem:s1], [sflag:$0x2] =	stream.linear.gather [hbm4b:s3+s1], $0x800, $0x38;
	[tilespmem:$0x9500] =	vst v63  }
0x20: {  	_ =	swait.ge [sflag:s9], $0x800  }
0x21: {  	[sflag:s9] =	ssyncset.done $0x0  }
0x22: {  	[sflag:s9] =	ssyncadd.s32 $0xFFFFF800  }
0x23: {  	[tilespmem:s10], [sflag:$0x2] =	stream.linear.gather [hbm4b:s4+s1], $0x800, $0x38;
	[tilespmem:$0x9500] =	vst v63  }
0x24: {  	_ =	swait.ge [sflag:s9], $0x800  }
0x25: {  	[sflag:s9] =	ssyncset.done $0x0  }
0x26: {  	[sflag:s9] =	ssyncadd.s32 $0xFFFFF800  }
0x27: {  	s2 =	simm.s32 $0x0;
	s0 =	simm.s32 $0x20;
	s23 =	simm.s32 $0x3000;
	[tilespmem:s11+$0x0] =	vst v0  }
.LBB2_2:
0x28: {  	s2 =	sadd.s32 $0x10, s2  }
0x29: {  	s23 =	sadd.s32 $0x10, s23;
	p1 =	slt.u32 s2, $0x3F0  }
.Ltmp2:
0x2a: {  	[tilespmem:s23+$0x0] =	vst v0;
	(pc) =	sbr.rel @p1 .LBB2_2-.Ltmp2, $1  }
0x2b: {  	_ =	sdelay $0x3  }
0x2c: {  	v3 =	vld [tilespmem:s0+$0x10];
	_ =	sdelay $0x4  }
0x2d: {  	v4 =	vld [tilespmem:s0+$0xFFFFFFF0];
	v3 =	vmul.f32 $1.024000000e+03, v3  }
0x2e: {  	v5 =	vld [tilespmem:s0+$0x0]  }
0x2f: {  	v6 =	vld [tilespmem:s0+$0xFFFFFFE0];
	v3 =	vtrunc.f32 v3  }
0x30: {  	v3 =	vcvt.f32.s32 v3  }
0x31: {  	s30 =	simm.s32 $0x60  }
0x32: {  	v7 =	vld [tilespmem:s30+$0x10];
	v4 =	vmul.f32 $1.024000000e+03, v4;
	(xrf1) =	vunique.msk.u32 $0xffff, v3  }
0x33: {  	v8 =	vld [tilespmem:s30+$0xFFFFFFF0];
	v5 =	vmul.f32 $1.024000000e+03, v5  }
0x34: {  	v9 =	vld [tilespmem:s30+$0x0];
	v6 =	vmul.f32 $1.024000000e+03, v6;
	v4 =	vtrunc.f32 v4  }
0x35: {  	v10 =	vld [tilespmem:s30+$0xFFFFFFE0];
	v5 =	vtrunc.f32 v5;
	v4 =	vcvt.f32.s32 v4  }
0x36: {  	v6 =	vtrunc.f32 v6;
	v5 =	vcvt.f32.s32 v5  }
0x37: {  	v6 =	vcvt.f32.s32 v6;
	(xrf1) =	vunique.msk.u32 $0xffff, v4  }
0x38: {  	v7 =	vmul.f32 $1.024000000e+03, v7;
	(xrf1) =	vunique.msk.u32 $0xffff, v5  }
0x39: {  	s31 =	simm.s32 $0xA0;
	v8 =	vmul.f32 $1.024000000e+03, v8;
	v9 =	vmul.f32 $1.024000000e+03, v9;
	(xrf1) =	vunique.msk.u32 $0xffff, v6  }
0x3a: {  	v11 =	vld [tilespmem:s31+$0x10];
	v10 =	vmul.f32 $1.024000000e+03, v10;
	v7 =	vtrunc.f32 v7  }
0x3b: {  	v8 =	vtrunc.f32 v8;
	v7 =	vcvt.f32.s32 v7  }
0x3c: {  	v13 =	vld [tilespmem:s31+$0x0];
	v14 =	vtrunc.f32 v9;
	v9 =	vcvt.f32.s32 v8  }
0x3d: {  	v10 =	vtrunc.f32 v10;
	v8 =	vcvt.f32.s32 v14;
	(xrf1) =	vunique.msk.u32 $0xffff, v7  }
0x3e: {  	v12 =	vld [tilespmem:s31+$0xFFFFFFF0];
	v10 =	vcvt.f32.s32 v10;
	(xrf1) =	vunique.msk.u32 $0xffff, v9  }
0x3f: {  	v14 =	vmul.f32 $1.024000000e+03, v11;
	(xrf1) =	vunique.msk.u32 $0xffff, v8  }
0x40: {  	_, v11, vm1 =	vpop (xrf1);
	(xrf1) =	vunique.msk.u32 $0xffff, v10  }
0x41: {  	v15 =	vmul.f32 $1.024000000e+03, v13;
	v13 =	vtrunc.f32 v14;
	v14 =	vld [tilespmem:s31+$0xFFFFFFE0];
	_ =	sdelay $0x1  }
0x42: {  	v12 =	vmul.f32 $1.024000000e+03, v12;
	_ =	sdelay $0x1  }
0x43: {  	s23 =	simm.s32 $0x80;
	s25 =	simm.s32 $0xE0;
	v16 =	vtrunc.f32 v12;
	v12 =	vcvt.f32.s32 v13;
	_, v13, vm2 =	vpop (xrf1)  }
.LBB2_4:
0x44: {  	v17 =	vld [tilespmem:s25+$0x10];
	s23 =	sadd.s32 $0x40, s23;
	v14 =	vmul.f32 $1.024000000e+03, v14;
	v15 =	vtrunc.f32 v15;
	_, v18, vm3 =	vpop (xrf1)  }
0x45: {  	v16 =	vcvt.f32.s32 v16;
	v19 =	vld [tilespmem:s25+$0xFFFFFFF0];
	p1 =	slt.u32 s23, $0x7C0;
	v15 =	vcvt.f32.s32 v15;
	(xrf1) =	vunique.msk.u32 $0xffff, v12;
	_, v20, vm4 =	vpop (xrf1)  }
0x46: {  	s24 =	simm.s32 $0x3000;
	v21 =	vld [tilespmem:s25+$0x0];
	v14 =	vtrunc.f32 v14  }
0x47: {  	v22 =	vcvt.f32.s32 v14;
	(xrf1) =	vunique.msk.u32 $0xffff, v16;
	[tilespmem:v3+s24+$0x0] =	vst.idx.add.s32.msk vm1, v11;
	v3 =	vmovc v7;
	v7 =	vmov v12  }
.Ltmp3:
0x48: {  	v14 =	vld [tilespmem:s25+$0xFFFFFFE0];
	(xrf1) =	vunique.msk.u32 $0xffff, v15;
	(pc) =	sbr.rel @p1 .LBB2_4-.Ltmp3, $4  }
0x49: {  	v12 =	vmul.f32 $1.024000000e+03, v17;
	(xrf1) =	vunique.msk.u32 $0xffff, v22;
	[tilespmem:v4+s24+$0x0] =	vst.idx.add.s32.msk vm2, v13;
	v4 =	vmovc v9;
	v9 =	vmov v16  }
0x4a: {  	v17 =	vmul.f32 $1.024000000e+03, v19;
	_, v11, vm1 =	vpop (xrf1);
	[tilespmem:v5+s24+$0x0] =	vst.idx.add.s32.msk vm3, v18;
	v5 =	vmov v8;
	v8 =	vmov v15  }
0x4b: {  	v15 =	vmul.f32 $1.024000000e+03, v21;
	v12 =	vtrunc.f32 v12;
	[tilespmem:v6+s24+$0x0] =	vst.idx.add.s32.msk vm4, v20;
	v6 =	vmovc v10;
	v10 =	vmov v22  }
0x4c: {  	s25 =	sadd.s32 $0x40, s25;
	v16 =	vtrunc.f32 v17;
	v12 =	vcvt.f32.s32 v12;
	_, v13, vm2 =	vpop (xrf1)  }
0x4d: {  	v14 =	vmul.f32 $1.024000000e+03, v14  }
0x4e: {  	v15 =	vtrunc.f32 v15;
	v16 =	vcvt.f32.s32 v16  }
0x4f: {  	v15 =	vcvt.f32.s32 v15;
	(xrf1) =	vunique.msk.u32 $0xffff, v12;
	v14 =	vtrunc.f32 v14  }
0x50: {  	(xrf1) =	vunique.msk.u32 $0xffff, v16;
	v14 =	vcvt.f32.s32 v14  }
0x51: {  	(xrf1) =	vunique.msk.u32 $0xffff, v15  }
0x52: {  	(xrf1) =	vunique.msk.u32 $0xffff, v14;
	_ =	sdelay $0x4  }
0x53: {  	_, v17, vm3 =	vpop (xrf1)  }
0x54: {  	_, v18, vm4 =	vpop (xrf1)  }
0x55: {  	_, v19, vm5 =	vpop (xrf1)  }
0x56: {  	_, v20, vm6 =	vpop (xrf1)  }
0x57: {  	[tilespmem:v3+s24+$0x0] =	vst.idx.add.s32.msk vm1, v11;
	_, v3, vm1 =	vpop (xrf1)  }
0x58: {  	[tilespmem:v4+s24+$0x0] =	vst.idx.add.s32.msk vm2, v13;
	_, v4, vm2 =	vpop (xrf1)  }
0x59: {  	[tilespmem:v5+s24+$0x0] =	vst.idx.add.s32.msk vm3, v17;
	_, v5, vm3 =	vpop (xrf1)  }
0x5a: {  	[tilespmem:v6+s24+$0x0] =	vst.idx.add.s32.msk vm4, v18;
	_, v6, vm4 =	vpop (xrf1)  }
0x5b: {  	[tilespmem:v7+s24+$0x0] =	vst.idx.add.s32.msk vm5, v19;
	_, v7, vm5 =	vpop (xrf1)  }
0x5c: {  	[tilespmem:v9+s24+$0x0] =	vst.idx.add.s32.msk vm6, v20;
	_, v9, vm6 =	vpop (xrf1)  }
0x5d: {  	[tilespmem:v8+s24+$0x0] =	vst.idx.add.s32.msk vm1, v3  }
0x5e: {  	[tilespmem:v10+s24+$0x0] =	vst.idx.add.s32.msk vm2, v4  }
0x5f: {  	[tilespmem:v12+s24+$0x0] =	vst.idx.add.s32.msk vm3, v5  }
0x60: {  	[tilespmem:v16+s24+$0x0] =	vst.idx.add.s32.msk vm4, v6  }
0x61: {  	[tilespmem:v15+s24+$0x0] =	vst.idx.add.s32.msk vm5, v7  }
0x62: {  	[tilespmem:v14+s24+$0x0] =	vst.idx.add.s32.msk vm6, v9  }
0x63: {  	v6 =	vld [tilespmem:s24+$0x0];
	_ =	sdelay $0x4  }
0x64: {  	s28 =	simm.s32 $0x3010;
	(xrf0) =	vadd.scan.msk.s32 $0xffff, v6  }
0x65: {  	s25 =	simm.s32 $0x3020;
	v4 =	vld [tilespmem:s28+$0x0]  }
0x66: {  	v3 =	vld [tilespmem:s25+$0x0];
	_ =	sdelay $0x3  }
0x67: {  	v9, _, _ =	vpop (xrf0);
	(xrf0) =	vadd.scan.msk.s32 $0xffff, v4  }
0x68: {  	(v2sf) =	vpush v9, $0xF;
	(xrf0) =	vadd.scan.msk.s32 $0xffff, v3;
	_ =	sdelay $0x4  }
0x69: {  	v7, _, _ =	vpop (xrf0)  }
0x6a: {  	s26 =	simm.s32 $0x3030;
	(v2sf) =	vpush v7, $0xF;
	v8, _, _ =	vpop (xrf0)  }
0x6b: {  	v5 =	vld [tilespmem:s26+$0x0];
	(v2sf) =	vpush v8, $0xF;
	_ =	sdelay $0x3  }
0x6c: {  	s23 =	simm.s32 $0x0  }
0x6d: {  	s31 =	simm.s32 $0x3040;
	v6 =	vsub.s32 s23, v6;
	(xrf0) =	vadd.scan.msk.s32 $0xffff, v5  }
0x6e: {  	v9 =	vadd.s32 v9, v6;
	v6 =	vld [tilespmem:s31+$0x0]  }
0x6f: {  	s30 =	simm.s32 $0x40  }
0x70: {  	s0 =	simm.s32 $0x0;
	s29 =	simm.s32 $0x3040;
	[tilespmem:s24+$0x0] =	vst v9;
	s2 =	spop (v2sf)  }
.LBB2_6:
0x71: {  	s30 =	sadd.s32 $0x10, s30  }
0x72: {  	s0 =	sadd.s32 s0, s2;
	s24 =	simm.s32 $0x810;
	p1 =	slt.u32 s30, $0x3F0  }
.Ltmp4:
0x73: {  	s31 =	sadd.s32 $0x10, s31;
	(xrf0) =	vadd.scan.msk.s32 $0xffff, v6;
	v9, _, _ =	vpop (xrf0);
	v10 =	vsub.s32 s0, v4;
	v4 =	vmov v3;
	v3 =	vmov v5;
	(pc) =	sbr.rel @p1 .LBB2_6-.Ltmp4, $4  }
0x74: {  	v5 =	vmovc v6;
	(v2sf) =	vpush v9, $0xF;
	v10 =	vadd.s32 v7, v10;
	v7 =	vmovc v8;
	v8 =	vmov v9;
	v6 =	vld [tilespmem:s31+$0x0]  }
0x75: {  	[tilespmem:s28+$0x0] =	vst v10;
	s28 =	smov.u32 s25;
	s25 =	smov.u32 s26;
	s26 =	smov.u32 s29  }
0x76: {  	s29 =	smov.u32 s31  }
0x77: {  	s2 =	spop (v2sf)  }
0x78: {  	_ = 	snop  }
0x79: {  	(xrf0) =	vadd.scan.msk.s32 $0xffff, v6;
	_ =	sdelay $0x1  }
0x7a: {  	v9, _, _ =	vpop (xrf0)  }
0x7b: {  	(v2sf) =	vpush v9, $0xF;
	_ =	sdelay $0x2  }
0x7c: {  	v10, _, _ =	vpop (xrf0)  }
0x7d: {  	(v2sf) =	vpush v10, $0xF;
	_ =	sdelay $0x8  }
0x7e: {  	s0 =	sadd.s32 s0, s2;
	s30 =	spop (v2sf)  }
0x7f: {  	v4 =	vsub.s32 s0, v4;
	s0 =	sadd.s32 s0, s30;
	s31 =	spop (v2sf)  }
0x80: {  	v4 =	vadd.s32 v7, v4;
	v3 =	vsub.s32 s0, v3;
	s0 =	sadd.s32 s0, s31;
	s30 =	spop (v2sf)  }
0x81: {  	[tilespmem:s28+$0x0] =	vst v4;
	v3 =	vadd.s32 v8, v3;
	v62 =	vsub.s32 s0, v5;
	s0 =	sadd.s32 s0, s30  }
0x82: {  	[tilespmem:s25+$0x0] =	vst v3;
	v3 =	vadd.s32 v9, v62;
	v63 =	vsub.s32 s0, v6  }
0x83: {  	[tilespmem:s26+$0x0] =	vst v3;
	v3 =	vadd.s32 v10, v63  }
0x84: {  	s25 =	simm.s32 $0x2810;
	s26 =	simm.s32 $0x10;
	[tilespmem:s29+$0x0] =	vst v3;
	s31 =	spop (v2sf)  }
.LBB2_8:
0x85: {  	v3 =	vld [tilespmem:s26+$0xFFFFFFF0];
	_ =	sdelay $0x4  }
0x86: {  	v4 =	vmul.f32 $1.024000000e+03, v3;
	_ =	sdelay $0x1  }
0x87: {  	v4 =	vtrunc.f32 v4  }
0x88: {  	v4 =	vcvt.f32.s32 v4;
	_ =	sdelay $0x1  }
0x89: {  	(xrf1) =	vunique.msk.u32 $0xffff, v4;
	_ =	sdelay $0x9  }
0x8a: {  	v5 =	vld.idx.msk [tilespmem:v4+s11+$0x0], $0xffff;
	_ =	sdelay $0x3  }
0x8b: {  	_, v6, vm1 =	vpop (xrf1)  }
0x8c: {  	v5 =	vadd.s32 v6, v5  }
0x8d: {  	v5 =	vadd.s32 $0xFFFFFFFF, v5  }
0x8e: {  	v7 =	vld [tilespmem:s24+$0xFFFFFFF0];
	_ =	sdelay $0x3  }
0x8f: {  	[tilespmem:v5+s12+$0x0] =	vst.idx.msk $0xffff, v3  }
0x90: {  	v3 =	vor.u32 s23, v1;
	[tilespmem:v5+s13+$0x0] =	vst.idx.msk $0xffff, v7  }
0x91: {  	[tilespmem:v5+s14+$0x0] =	vst.idx.msk $0xffff, v3  }
0x92: {  	[tilespmem:s25+$0xFFFFFFF0] =	vst v5  }
0x93: {  	[tilespmem:v4+s11+$0x0] =	vst.idx.add.s32.msk vm1, v6  }
0x94: {  	v3 =	vld [tilespmem:s26+$0x0];
	_ =	sdelay $0x4  }
0x95: {  	v63 =	vmul.f32 $1.024000000e+03, v3;
	_ =	sdelay $0x1  }
0x96: {  	v4 =	vtrunc.f32 v63  }
0x97: {  	v4 =	vcvt.f32.s32 v4;
	_ =	sdelay $0x1  }
0x98: {  	(xrf1) =	vunique.msk.u32 $0xffff, v4;
	_ =	sdelay $0x9  }
0x99: {  	v5 =	vld.idx.msk [tilespmem:v4+s11+$0x0], $0xffff;
	_ =	sdelay $0x3  }
0x9a: {  	_, v6, vm1 =	vpop (xrf1)  }
0x9b: {  	v5 =	vadd.s32 v6, v5  }
0x9c: {  	v5 =	vadd.s32 $0xFFFFFFFF, v5  }
0x9d: {  	v7 =	vld [tilespmem:s24+$0x0];
	_ =	sdelay $0x2  }
0x9e: {  	p1 =	sne.s32 s23, $0x7E0  }
.Ltmp5:
0x9f: {  	s0 =	sadd.s32 $0x10, s23;
	[tilespmem:v5+s12+$0x0] =	vst.idx.msk $0xffff, v3;
	(pc) =	sbr.rel @p1 .LBB2_8-.Ltmp5, $4  }
0xa0: {  	v3 =	vor.u32 s0, v1;
	[tilespmem:v5+s13+$0x0] =	vst.idx.msk $0xffff, v7  }
0xa1: {  	[tilespmem:v5+s14+$0x0] =	vst.idx.msk $0xffff, v3  }
0xa2: {  	s23 =	sadd.s32 $0x20, s23;
	[tilespmem:s25+$0x0] =	vst v5  }
0xa3: {  	s24 =	sadd.s32 $0x20, s24;
	s26 =	sadd.s32 $0x20, s26;
	s25 =	sadd.s32 $0x20, s25;
	[tilespmem:v4+s11+$0x0] =	vst.idx.add.s32.msk vm1, v6  }
.Ltmp6:
0xa4: {  	(pc) =	sbr.rel .LBB2_10-.Ltmp6, $2  }
0xa5: {  	_ =	sdelay $0x2  }
0xa6: {  	s23 =	simm.s32 $0x0  }
.LBB2_16:
0xa7: {  	_ =	sdelay $0x2  }
0xa8: {  	s0 =	sadd.s32 $0xFFFFFFFB, s23  }
0xa9: {  	v3 =	vld.idx.msk [tilespmem:v3+s14+$0x0], $0xffff;
	s0 =	smov.u32 @p1 s24;
	p1 =	slt.u32 s23, $0xA  }
.Ltmp7:
0xaa: {  	_ = 	snop;
	(pc) =	sbr.rel @!p1 .LBB2_17-.Ltmp7, $4  }
0xab: {  	s0 =	sshll.u32 s0, $0x4  }
0xac: {  	s0 =	sand.u32 $0x3FFFFFF0, s0  }
0xad: {  	s2 =	sadd.s32 $0x2, s23;
	s0 =	sadd.s32 s0, s25  }
0xae: {  	s23 =	smov.u32 s2;
	[tilespmem:s0+$0x0] =	vst v3  }
.LBB2_10:
0xaf: {  	s0 =	sshll.u32 s23, $0x4  }
0xb0: {  	s0 =	sadd.s32 s6, s0  }
0xb1: {  	v3 =	vor.u32 s0, v1  }
0xb2: {  	v4 =	vand.u32 $0x7EF, v3  }
.Ltmp8:
0xb3: {  	_ = 	snop;
	(pc) =	sbr.rel @!p0 .LBB2_13-.Ltmp8, $2  }
0xb4: {  	_ =	sdelay $0x2  }
0xb5: {  	v3 =	vld.idx.msk [tilespmem:v4+s15+$0x0], $0xffff  }
0xb6: {  	_ =	sdelay $0x3  }
0xb7: {  	v6 =	vld.idx.msk [tilespmem:v4+s1+$0x0], $0xffff  }
0xb8: {  	v7 =	vld.idx.msk [tilespmem:v4+s10+$0x0], $0xffff;
	_ =	sdelay $0x3  }
0xb9: {  	v4 =	vmov s0  }
0xba: {  	v4 =	vshrl.u32 v4, $0xB;
	v5 =	vadd.f32 $1.000000050e-03, v6;
	v8 =	vadd.f32 $1.000000050e-03, v7  }
0xbb: {  	vm1 =	veq.s32 v4, $0x0;
	vm2 =	veq.s32 v4, $0x1  }
0xbc: {  	v4 =	vsel vm1, v6, v5;
	v5 =	vsel vm2, v7, v8  }
0xbd: {  	v4 =	vadd.f32 $-5.000000240e-04, v4;
	v5 =	vadd.f32 $-5.000000240e-04, v5;
	_ =	sdelay $0x1  }
0xbe: {  	v6 =	vsub.f32 v4, v6;
	v7 =	vsub.f32 v5, v7;
	_ =	sdelay $0x1  }
0xbf: {  	v6 =	vmul.f32 v6, v6;
	v7 =	vmul.f32 v7, v7;
	_ =	sdelay $0x3  }
0xc0: {  	vm2 =	vmmov vm0;
	vm1 =	vmmov vm0;
	v8 =	vadd.f32 v7, v6;
	v6 =	vmovc v3;
	v7 =	vmovc v3  }
.LBB2_12:
0xc1: {  	v7 =	vadd.s32 $0x1, v7  }
0xc2: {  	v6 =	vadd.s32 $0xFFFFFFFF, v6;
	vm3 =	vlt.s32 v7, $0x800  }
0xc3: {  	vm1 =	vmand vm3, vm1;
	vm3 =	vgt.s32 v6, $0xFFFFFFFF  }
0xc4: {  	vm2 =	vmand vm3, vm2;
	_ =	sdelay $0x4  }
0xc5: {  	v9 =	vld.idx.msk [tilespmem:v7+s12+$0x0], vm1  }
0xc6: {  	v10 =	vld.idx.msk [tilespmem:v6+s12+$0x0], vm2;
	_ =	sdelay $0x1  }
0xc7: {  	v11 =	vld.idx.msk [tilespmem:v7+s13+$0x0], vm1;
	_ =	sdelay $0x2  }
0xc8: {  	v12 =	vld.idx.msk [tilespmem:v6+s13+$0x0], vm2;
	v13 =	vsub.f32 v4, v9;
	v14 =	vmul.f32 $1.024000000e+03, v10  }
0xc9: {  	v9 =	vmul.f32 $1.024000000e+03, v9  }
0xca: {  	v11 =	vsub.f32 v5, v11;
	v13 =	vmul.f32 v13, v13;
	v14 =	vtrunc.f32 v14  }
0xcb: {  	v9 =	vtrunc.f32 v9;
	v14 =	vcvt.f32.s32 v14  }
0xcc: {  	v11 =	vmul.f32 v11, v11;
	v9 =	vcvt.f32.s32 v9  }
0xcd: {  	v10 =	vsub.f32 v4, v10;
	v12 =	vsub.f32 v5, v12;
	v14 =	vadd.s32 $0x1, v14  }
0xce: {  	v11 =	vadd.f32 v11, v13;
	v9 =	vcvt.s32.f32 v9;
	v62 =	vcvt.s32.f32 v14  }
0xcf: {  	v10 =	vmul.f32 v10, v10;
	v12 =	vmul.f32 v12, v12  }
0xd0: {  	vm3 =	vlt.f32 v11, v8;
	v9 =	vmul.f32 $9.765625000e-04, v9;
	v13 =	vmul.f32 $9.765625000e-04, v62  }
0xd1: {  	v10 =	vadd.f32 v12, v10;
	vm3 =	vmand vm1, vm3  }
0xd2: {  	v8 =	vsel vm3, v11, v8;
	v9 =	vsub.f32 v9, v4;
	v11 =	vsub.f32 v4, v13  }
0xd3: {  	vm4 =	vlt.f32 v10, v8  }
0xd4: {  	vm4 =	vmand vm2, vm4;
	v63 =	vmul.f32 v9, v9;
	v13 =	vmul.f32 v11, v11  }
0xd5: {  	v8 =	vsel vm4, v10, v8;
	vm5 =	vle.f32 v9, $0.0e+00  }
0xd6: {  	vm6 =	vle.f32 v63, v8;
	vm7 =	vle.f32 v11, $0.0e+00;
	vm8 =	vle.f32 v13, v8  }
0xd7: {  	vm5 =	vmor vm5, vm6;
	vm15 =	vmor vm7, vm8  }
0xd8: {  	vm1 =	vmand vm1, vm5;
	vm2 =	vmand vm2, vm15  }
0xd9: {  	vm5 =	vmor vm1, vm2  }
0xda: {  	v9 =	vsel vm5, $0x3F800000, v2  }
0xdb: {  	(xrf0) =	vmax.scan.msk.f32 $0xffff, v9;
	_ =	sdelay $0x5  }
0xdc: {  	v9, _, _ =	vpop (xrf0)  }
0xdd: {  	(v2sf) =	vpush v9, $0xF;
	_ =	sdelay $0xe  }
0xde: {  	s0 =	spop (v2sf)  }
0xdf: {  	p1 =	sgt.f32 s0, $0.0e+00  }
.Ltmp9:
0xe0: {  	_ = 	snop;
	(pc) =	sbr.rel @p1 .LBB2_12-.Ltmp9, $3  }
0xe1: {  	_ =	sdelay $0x1  }
0xe2: {  	v3 =	vsel vm3, v7, v3  }
0xe3: {  	v3 =	vsel vm4, v6, v3  }
.LBB2_13:
0xe4: {  	_ =	sdelay $0x4  }
0xe5: {  	s24 =	sor.u32 $0x1, s23  }
0xe6: {  	s0 =	sshll.u32 s24, $0x4  }
0xe7: {  	s0 =	sadd.s32 s6, s0  }
0xe8: {  	s2 =	sshll.u32 s23, $0x6;
	v4 =	vor.u32 s0, v1;
	v3 =	vld.idx.msk [tilespmem:v3+s14+$0x0], $0xffff  }
0xe9: {  	p1 =	slt.u32 s23, $0x6;
	s26 =	sadd.s32 $0xFFFFFE80, s2;
	v4 =	vand.u32 $0x7FF, v4  }
0xea: {  	p2 =	sgt.u32 s23, $0x5;
	s25 =	simm.s32 $0x3480;
	s26 =	smov.u32 @p1 s2  }
0xeb: {  	s25 =	simm.s32 @!p2 $0x3400;
	s2 =	sshra.s32 s26, $0x2  }
0xec: {  	s2 =	sadd.s32 s2, s25  }
.Ltmp10:
0xed: {  	[tilespmem:s2+$0x0] =	vst v3;
	(pc) =	sbr.rel @!p0 .LBB2_16-.Ltmp10, $1  }
0xee: {  	v3 =	vld.idx.msk [tilespmem:v4+s15+$0x0], $0xffff;
	_ =	sdelay $0x3  }
0xef: {  	_ =	sdelay $0x3  }
0xf0: {  	v6 =	vld.idx.msk [tilespmem:v4+s1+$0x0], $0xffff  }
0xf1: {  	v7 =	vld.idx.msk [tilespmem:v4+s10+$0x0], $0xffff;
	_ =	sdelay $0x3  }
0xf2: {  	v4 =	vmov s0  }
0xf3: {  	v4 =	vshrl.u32 v4, $0xB;
	v5 =	vadd.f32 $1.000000050e-03, v6;
	v8 =	vadd.f32 $1.000000050e-03, v7  }
0xf4: {  	vm1 =	veq.s32 v4, $0x0;
	vm2 =	veq.s32 v4, $0x1  }
0xf5: {  	v4 =	vsel vm1, v6, v5;
	v5 =	vsel vm2, v7, v8  }
0xf6: {  	v4 =	vadd.f32 $-5.000000240e-04, v4;
	v5 =	vadd.f32 $-5.000000240e-04, v5;
	_ =	sdelay $0x1  }
0xf7: {  	v6 =	vsub.f32 v4, v6;
	v7 =	vsub.f32 v5, v7;
	_ =	sdelay $0x1  }
0xf8: {  	v6 =	vmul.f32 v6, v6;
	v7 =	vmul.f32 v7, v7;
	_ =	sdelay $0x3  }
0xf9: {  	vm2 =	vmmov vm0;
	vm1 =	vmmov vm0;
	v8 =	vadd.f32 v7, v6;
	v6 =	vmovc v3;
	v7 =	vmovc v3  }
.LBB2_15:
0xfa: {  	v7 =	vadd.s32 $0x1, v7  }
0xfb: {  	v6 =	vadd.s32 $0xFFFFFFFF, v6;
	vm3 =	vlt.s32 v7, $0x800  }
0xfc: {  	vm1 =	vmand vm3, vm1;
	vm3 =	vgt.s32 v6, $0xFFFFFFFF  }
0xfd: {  	vm2 =	vmand vm3, vm2;
	_ =	sdelay $0x4  }
0xfe: {  	v9 =	vld.idx.msk [tilespmem:v7+s12+$0x0], vm1  }
0xff: {  	v10 =	vld.idx.msk [tilespmem:v6+s12+$0x0], vm2;
	_ =	sdelay $0x1  }
0x100: {  	v11 =	vld.idx.msk [tilespmem:v7+s13+$0x0], vm1;
	_ =	sdelay $0x2  }
0x101: {  	v12 =	vld.idx.msk [tilespmem:v6+s13+$0x0], vm2;
	v13 =	vsub.f32 v4, v9;
	v14 =	vmul.f32 $1.024000000e+03, v10  }
0x102: {  	v9 =	vmul.f32 $1.024000000e+03, v9  }
0x103: {  	v11 =	vsub.f32 v5, v11;
	v13 =	vmul.f32 v13, v13;
	v14 =	vtrunc.f32 v14  }
0x104: {  	v9 =	vtrunc.f32 v9;
	v14 =	vcvt.f32.s32 v14  }
0x105: {  	v11 =	vmul.f32 v11, v11;
	v9 =	vcvt.f32.s32 v9  }
0x106: {  	v10 =	vsub.f32 v4, v10;
	v12 =	vsub.f32 v5, v12;
	v14 =	vadd.s32 $0x1, v14  }
0x107: {  	v11 =	vadd.f32 v11, v13;
	v9 =	vcvt.s32.f32 v9;
	v62 =	vcvt.s32.f32 v14  }
0x108: {  	v10 =	vmul.f32 v10, v10;
	v12 =	vmul.f32 v12, v12  }
0x109: {  	vm3 =	vlt.f32 v11, v8;
	v9 =	vmul.f32 $9.765625000e-04, v9;
	v13 =	vmul.f32 $9.765625000e-04, v62  }
0x10a: {  	v10 =	vadd.f32 v12, v10;
	vm3 =	vmand vm1, vm3  }
0x10b: {  	v8 =	vsel vm3, v11, v8;
	v9 =	vsub.f32 v9, v4;
	v11 =	vsub.f32 v4, v13  }
0x10c: {  	vm4 =	vlt.f32 v10, v8  }
0x10d: {  	vm4 =	vmand vm2, vm4;
	v63 =	vmul.f32 v9, v9;
	v13 =	vmul.f32 v11, v11  }
0x10e: {  	v8 =	vsel vm4, v10, v8;
	vm5 =	vle.f32 v9, $0.0e+00  }
0x10f: {  	vm6 =	vle.f32 v63, v8;
	vm7 =	vle.f32 v11, $0.0e+00;
	vm8 =	vle.f32 v13, v8  }
0x110: {  	vm5 =	vmor vm5, vm6;
	vm15 =	vmor vm7, vm8  }
0x111: {  	vm1 =	vmand vm1, vm5;
	vm2 =	vmand vm2, vm15  }
0x112: {  	vm5 =	vmor vm1, vm2  }
0x113: {  	v9 =	vsel vm5, $0x3F800000, v2  }
0x114: {  	(xrf0) =	vmax.scan.msk.f32 $0xffff, v9;
	_ =	sdelay $0x5  }
0x115: {  	v9, _, _ =	vpop (xrf0)  }
0x116: {  	(v2sf) =	vpush v9, $0xF;
	_ =	sdelay $0xe  }
0x117: {  	s0 =	spop (v2sf)  }
0x118: {  	p2 =	sgt.f32 s0, $0.0e+00  }
.Ltmp11:
0x119: {  	_ = 	snop;
	(pc) =	sbr.rel @p2 .LBB2_15-.Ltmp11, $3  }
0x11a: {  	_ =	sdelay $0x1  }
0x11b: {  	v3 =	vsel vm3, v7, v3  }
0x11c: {  	v3 =	vsel vm4, v6, v3  }
.Ltmp12:
0x11d: {  	_ = 	snop;
	(pc) =	sbr.rel .LBB2_16-.Ltmp12, $1  }
0x11e: {  	_ =	sdelay $0x3  }
.LBB2_18:
0x11f: {  	_ =	sfence.sel $0x180000  }
0x120: {  	[bflag:$0x0] =	sbarrier.arrive $0xFFFF  }
0x121: {  	_ =	strace $0x90000047  }
0x122: {  	s0 =	stileid.u32;
	[bflag:$0x2] =	sbarrier.arrive $0xFFFF  }
0x123: {  	p0 =	sne.s32 s0, $0x0;
	s0 =	rddreg [dreg:$0x2]  }
0x124: {  	s0 =	sadd.s32 @!p0 $0x100000, s0  }
0x125: {  	[sflag:s0] =	ssyncadd.tile.s32 @!p0 $0x1;
	_ =	shalt  }
.Lfunc_end2:
_tile_overlayer_lowered:
.L_overlay_start_2:
0x126: {  	(tag) =	ssettag $0x2  }
0x127: {  	s0 =	rddreg [dreg:$0x0];
	s2 =	stileid.u32  }
0x128: {  	s1 =	rddreg [dreg:$0x1];
	p0 =	sne.s32 s2, $0x0  }
0x129: {  	s3 =	rddreg [dreg:$0x2];
	[bflag:$0x3] =	sbarrier.arrive $0xFFFF;
	s2 =	simm.s32 @!p0 $0x1C02  }
0x12a: {  	[timem:s3], [sflag:s2] =	dma.local @!p0 [hbm:s0], s1  }
0x12b: {  	s0 =	simm.s32 @!p0 $0x2  }
0x12c: {  	_ =	swait.ge @!p0 [sflag:s0], s1  }
0x12d: {  	s1 =	ssub.s32 @!p0 $0x0, s1;
	[sflag:s0] =	ssyncset.done @!p0 $0x0  }
0x12e: {  	[sflag:s0] =	ssyncadd.s32 @!p0 s1  }
0x12f: {  	[bflag:$0x3] =	sbarrier.arrive $0xFFFF  }
0x130: {  	_ =	shalt  }

</sc_bundles>
